<compile_context>
chip_gen: v7x
topology: tpu7x:2x2x1
jax: 0.10.2.dev20260603
libtpu: 0.0.44.dev20260713+nightly
codegen_flags: <defaults>
</compile_context>

<pallas_src>
import jax
import jax.numpy as jnp
from jax import lax
from jax.experimental import pallas as pl
from jax.experimental.pallas import tpu as pltpu

G = 20
NPG = 500
N = G * NPG
E = 160000
K = 100

_BETAS = (0.4, 0.3, 0.3, 0.3, 0.2, 0.2, 0.2)
_QS = tuple(range(2, 9))
_QTOT = sum(_QS)
_EPS_BN = 1e-5


def _ctr(a, y, adim, ydim, prec=lax.Precision.HIGHEST):
    return lax.dot_general(a, y, (((adim,), (ydim,)), ((), ())),
                           precision=prec,
                           preferred_element_type=jnp.float32)


def _mmh(a, b, prec=lax.Precision.HIGHEST):
    return jnp.dot(a, b, precision=prec,
                   preferred_element_type=jnp.float32)


_DEF = lax.Precision.HIGHEST


def _rd(ref, g):
    return ref[pl.ds(g, 1)][0]


def _wr(ref, g, val):
    ref[pl.ds(g, 1)] = val[None]


def _mega(A_ref, x_ref, b0_ref, logb0_ref, betav_ref, mseg_ref,
          W11_ref, b11_ref, W12_ref, b12_ref, W13_ref, b13_ref,
          g11_ref, be11_ref, g12_ref, be12_ref, g13_ref, be13_ref,
          g21_ref, be21_ref, g22_ref, be22_ref, g23_ref, be23_ref,
          Wp_ref, bpb_ref, W21_ref, b21_ref, W22_ref, b22_ref,
          W23_ref, b23_ref, Wf1_ref, bf1_ref, Wf2_ref, bf2_ref,
          out_ref, reg_ref,
          nrm_ref, agg_ref, hx1_ref, hx2_ref, hx3_ref, bel_ref,
          p1x_ref, padj_ref, agg2_ref, h21_ref, h22_ref, h23_ref,
          x1o_ref, x2o_ref):
    ones_col = jnp.ones((NPG, 1), jnp.float32)

    def nrm_body(g, c):
        a = _rd(A_ref, g)
        deg = _ctr(a, ones_col, 0, 0) + 1.0
        _wr(nrm_ref, g, lax.rsqrt(deg))
        return c
    lax.fori_loop(0, G, nrm_body, 0)

    W11 = W11_ref[...]; b11 = b11_ref[...]

    def gcn_agg(g, xw):
        a = _rd(A_ref, g)
        nc = _rd(nrm_ref, g)
        aggT = _ctr(a, xw * nc, 0, 0)
        return aggT * nc + xw * (nc * nc)

    def l1_body(g, s):
        agg = gcn_agg(g, _mmh(_rd(x_ref, g), W11)) + b11
        _wr(agg_ref, g, agg)
        return s + jnp.sum(agg, axis=0, keepdims=True)
    z30 = jnp.zeros((1, 30), jnp.float32)
    s = lax.fori_loop(0, G, l1_body, z30)

    def var_of(ref, m, n):
        def vb(g, ss):
            d = _rd(ref, g) - m
            return ss + jnp.sum(d * d, axis=0, keepdims=True)
        return lax.fori_loop(0, G, vb, z30) / n

    def bn_coefs(s, ga, be, ref, n):
        m = s / n
        v = var_of(ref, m, n)
        sc = lax.rsqrt(v + _EPS_BN) * ga
        return sc, be - m * sc

    def boundary(s, ga, be, hx_ref, x1o_col, Wn, bn_, more):
        sc, sh = bn_coefs(s, ga, be, agg_ref, N)

        def body(g, s2):
            hx = _rd(agg_ref, g) * sc + sh
            _wr(hx_ref, g, hx)
            x1o_ref[pl.ds(g, 1), pl.ds(x1o_col, 30)] = jnp.max(
                hx, axis=0, keepdims=True)
            if not more:
                return s2
            agg = gcn_agg(g, _mmh(hx, Wn)) + bn_
            _wr(agg_ref, g, agg)
            return s2 + jnp.sum(agg, axis=0, keepdims=True)
        return lax.fori_loop(0, G, body, z30)

    s = boundary(s, g11_ref[...], be11_ref[...], hx1_ref, 0,
                 W12_ref[...], b12_ref[...], True)
    s = boundary(s, g12_ref[...], be12_ref[...], hx2_ref, 30,
                 W13_ref[...], b13_ref[...], True)
    boundary(s, g13_ref[...], be13_ref[...], hx3_ref, 60,
             None, None, False)

    bel_ref[...] = b0_ref[...]
    betav = betav_ref[...]
    mseg = mseg_ref[...]

    def bp_body(g, c):
        a = _rd(A_ref, g)
        lb0 = _rd(logb0_ref, g)
        bel = _rd(bel_ref, g)
        h = _ctr(a, bel, 0, 0)
        e = jnp.exp(betav * h + lb0)
        _wr(bel_ref, g, e / _mmh(e, mseg))
        return c
    for _ in range(5):
        lax.fori_loop(0, G, bp_body, 0)

    Wp = Wp_ref[...]; bpb = bpb_ref[...]
    eyeK = (lax.broadcasted_iota(jnp.int32, (K, K), 0) ==
            lax.broadcasted_iota(jnp.int32, (K, K), 1)).astype(jnp.float32)

    def pool_body(g, carry):
        ml, ent = carry
        a = _rd(A_ref, g)
        S = _mmh(_rd(bel_ref, g), Wp, _DEF) + bpb
        t = _ctr(a, S, 1, 0, _DEF)
        ml = ml + jnp.sum(t * S)
        mx = jnp.max(S, axis=-1, keepdims=True)
        es = jnp.exp(S - mx)
        sm = es / jnp.sum(es, axis=-1, keepdims=True)
        ent = ent + jnp.sum(-sm * jnp.log(sm + 1e-15))
        _wr(p1x_ref, g, _ctr(sm, _rd(hx3_ref, g), 0, 0, _DEF))
        _wr(padj_ref, g, _ctr(sm, _ctr(a, sm, 1, 0, _DEF), 0, 0, _DEF))
        return ml, ent
    ml, ent = lax.fori_loop(0, G, pool_body,
                            (jnp.float32(0.0), jnp.float32(0.0)))
    p1_ml = -ml / E
    p1_el = ent / N

    ones_colK = jnp.ones((K, 1), jnp.float32)

    def dgcn_agg(g, z):
        a2 = _rd(padj_ref, g) + eyeK
        nr = lax.rsqrt(_ctr(a2, ones_colK, 1, 0) + 1e-9)
        return nr * _ctr(a2, nr * z, 1, 0, _DEF)

    def d1_body(g, s2):
        agg = dgcn_agg(g, _mmh(_rd(p1x_ref, g), W21_ref[...])) + b21_ref[...]
        _wr(agg2_ref, g, agg)
        return s2 + jnp.sum(agg, axis=0, keepdims=True)
    s = lax.fori_loop(0, G, d1_body, z30)

    NK = G * K

    def dboundary(s, ga, be, hx_ref, x2o_col, Wn, bn_, more):
        sc, sh = bn_coefs(s, ga, be, agg2_ref, NK)

        def body(g, s2):
            hx = _rd(agg2_ref, g) * sc + sh
            _wr(hx_ref, g, hx)
            x2o_ref[pl.ds(g, 1), pl.ds(x2o_col, 30)] = jnp.max(
                hx, axis=0, keepdims=True)
            if not more:
                return s2
            agg = dgcn_agg(g, _mmh(hx, Wn)) + bn_
            _wr(agg2_ref, g, agg)
            return s2 + jnp.sum(agg, axis=0, keepdims=True)
        return lax.fori_loop(0, G, body, z30)

    s = dboundary(s, g21_ref[...], be21_ref[...], h21_ref, 0,
                  W22_ref[...], b22_ref[...], True)
    s = dboundary(s, g22_ref[...], be22_ref[...], h22_ref, 30,
                  W23_ref[...], b23_ref[...], True)
    dboundary(s, g23_ref[...], be23_ref[...], h23_ref, 60,
              None, None, False)

    conv_out = jnp.concatenate([x1o_ref[...], x2o_ref[...]], axis=-1)
    hid = jnp.maximum(_mmh(conv_out, Wf1_ref[...], _DEF) + bf1_ref[...], 0.0)
    out_ref[...] = _mmh(hid, Wf2_ref[...], _DEF) + bf2_ref[...]
    reg_ref[...] = jnp.reshape(p1_el + p1_ml, (1, 1))


def kernel(x, edge_index, edge_attr, W11, b11, W12, b12, W13, b13,
           g11, be11, g12, be12, g13, be13, g21, be21, g22, be22, g23, be23,
           Wp, bpb, W21, b21, W22, b22, W23, b23, Wf1, bf1, Wf2, bf2):
    src = edge_index[0].astype(jnp.int32)
    dst = edge_index[1].astype(jnp.int32)
    ew = edge_attr

    gid = src // NPG
    A = jnp.zeros((G, NPG, NPG), jnp.float32).at[gid, src % NPG, dst % NPG].add(ew)

    idx = jnp.arange(N, dtype=jnp.float32)[:, None]
    b0s = []
    for q in _QS:
        freqs = jnp.arange(1, q + 1, dtype=jnp.float32)[None, :]
        z = jnp.sin(idx * freqs * 0.7331)
        z = z - jnp.max(z, axis=-1, keepdims=True)
        ez = jnp.exp(z)
        b0s.append(ez / jnp.sum(ez, axis=-1, keepdims=True))
    b0 = jnp.concatenate(b0s, axis=-1).reshape(G, NPG, _QTOT)
    logb0 = jnp.log(b0 + 1e-9)
    betav = jnp.concatenate([jnp.full((q,), b, jnp.float32)
                             for q, b in zip(_QS, _BETAS)])[None]
    run_id = jnp.concatenate([jnp.full((q,), i, jnp.int32)
                              for i, q in enumerate(_QS)])
    mseg = (run_id[:, None] == run_id[None, :]).astype(jnp.float32)

    f32 = jnp.float32
    scratch = [
        pltpu.VMEM((G, NPG, 1), f32),
        pltpu.VMEM((G, NPG, 30), f32),
        pltpu.VMEM((G, NPG, 30), f32),
        pltpu.VMEM((G, NPG, 30), f32),
        pltpu.VMEM((G, NPG, 30), f32),
        pltpu.VMEM((G, NPG, _QTOT), f32),
        pltpu.VMEM((G, K, 30), f32),
        pltpu.VMEM((G, K, K), f32),
        pltpu.VMEM((G, K, 30), f32),
        pltpu.VMEM((G, K, 30), f32),
        pltpu.VMEM((G, K, 30), f32),
        pltpu.VMEM((G, K, 30), f32),
        pltpu.VMEM((G, 90), f32),
        pltpu.VMEM((G, 90), f32),
    ]

    out, reg = pl.pallas_call(
        _mega,
        out_shape=(jax.ShapeDtypeStruct((G, 6), jnp.float32),
                   jax.ShapeDtypeStruct((1, 1), jnp.float32)),
        scratch_shapes=scratch,
        compiler_params=pltpu.CompilerParams(
            vmem_limit_bytes=100 * 1024 * 1024),
    )(A, x.reshape(G, NPG, 3), b0, logb0, betav, mseg,
      W11, b11, W12, b12, W13, b13,
      g11, be11, g12, be12, g13, be13,
      g21, be21, g22, be22, g23, be23,
      Wp, bpb, W21, b21, W22, b22, W23, b23, Wf1, bf1, Wf2, bf2)
    return (out, jnp.reshape(reg, ()))

# --- scband reference (transcript-rebuilt; emitter-appended) ---
"""Pipeline reference for scband-net-34737695490170 (READ-ONLY COPY).

The authoritative reference and input builder live on the scoring server;
editing this copy changes nothing except your own understanding.
"""

import jax, jax.numpy as jnp
import numpy as np

G = 20
NPG = 500
N = G * NPG
E = 160000
K = 100


def _gcn(x, W, b, src, dst, ew, n):
    xw = x @ W
    deg = jax.ops.segment_sum(ew, dst, num_segments=n) + 1.0
    nrm = jax.lax.rsqrt(deg)
    coef = (ew * nrm[src] * nrm[dst])[:, None]
    agg = jax.ops.segment_sum(xw[src] * coef, dst, num_segments=n)
    agg = agg + xw * (nrm * nrm)[:, None]
    return agg + b


def _bn(x, gamma, beta):
    m = x.mean(0)
    v = x.var(0)
    return (x - m) * jax.lax.rsqrt(v + 1e-5) * gamma + beta


def _bp(src, dst, ew, n, q, beta, iters=5):
    idx = jnp.arange(n, dtype=jnp.float32)[:, None]
    freqs = jnp.arange(1, q + 1, dtype=jnp.float32)[None, :]
    b0 = jax.nn.softmax(jnp.sin(idx * freqs * 0.7331), axis=-1)
    bel = b0
    for _ in range(iters):
        h = jax.ops.segment_sum(bel[src] * ew[:, None], dst, num_segments=n)
        bel = jax.nn.softmax(beta * h + jnp.log(b0 + 1e-9), axis=-1)
    return bel


def _modularity_reg(s, src, dst, ew):
    return -jnp.sum(s[src] * s[dst] * ew[:, None]) / src.shape[0]


def _dense_diff_pool(x, adj, s):
    s = jax.nn.softmax(s, axis=-1)
    out = jnp.einsum('bnk,bnd->bkd', s, x)
    out_adj = jnp.einsum('bnk,bnm,bml->bkl', s, adj, s)
    rec = jnp.einsum('bnk,bmk->bnm', s, s)
    link_loss = jnp.sqrt(jnp.sum((adj - rec) ** 2)) / adj.size
    ent_loss = jnp.mean(jnp.sum(-s * jnp.log(s + 1e-15), axis=-1))
    return out, out_adj, link_loss, ent_loss


def _dgcn(x, adj, W, b):
    A = adj + jnp.eye(adj.shape[-1], dtype=adj.dtype)[None]
    deg = A.sum(-1)
    nrm = jax.lax.rsqrt(deg + 1e-9)
    An = A * nrm[:, :, None] * nrm[:, None, :]
    return jnp.einsum('bij,bjd->bid', An, x @ W) + b


def setup_inputs(seed: int = 0):
    key = jax.random.key(seed)
    ks = jax.random.split(key, 16)
    x = jax.random.normal(ks[0], (N, 3), jnp.float32)
    src = jax.random.randint(ks[1], (E,), 0, N)
    dst = (src // NPG) * NPG + (jax.random.randint(ks[2], (E,), 0, N) % NPG)
    edge_index = jnp.stack([src, dst]).astype(jnp.int64)
    edge_attr = jax.random.uniform(ks[3], (E,), jnp.float32) + 0.1

    def g(k, shape, scale=0.1):
        return jax.random.normal(k, shape, jnp.float32) * scale

    inp = dict(x=x, edge_index=edge_index, edge_attr=edge_attr)
    inp['W11'] = g(ks[4], (3, 30)); inp['b11'] = jnp.zeros((30,), jnp.float32)
    inp['W12'] = g(ks[5], (30, 30)); inp['b12'] = jnp.zeros((30,), jnp.float32)
    inp['W13'] = g(ks[6], (30, 30)); inp['b13'] = jnp.zeros((30,), jnp.float32)
    for nm in ('11', '12', '13', '21', '22', '23'):
        inp['g' + nm] = jnp.ones((30,), jnp.float32)
        inp['be' + nm] = jnp.zeros((30,), jnp.float32)
    inp['Wp'] = g(ks[7], (35, 100)); inp['bpb'] = jnp.zeros((100,), jnp.float32)
    inp['W21'] = g(ks[8], (30, 30)); inp['b21'] = jnp.zeros((30,), jnp.float32)
    inp['W22'] = g(ks[9], (30, 30)); inp['b22'] = jnp.zeros((30,), jnp.float32)
    inp['W23'] = g(ks[10], (30, 30)); inp['b23'] = jnp.zeros((30,), jnp.float32)
    inp['Wf1'] = g(ks[11], (180, 50)); inp['bf1'] = jnp.zeros((50,), jnp.float32)
    inp['Wf2'] = g(ks[12], (50, 6)); inp['bf2'] = jnp.zeros((6,), jnp.float32)
    return inp


def reference(x, edge_index, edge_attr, W11, b11, W12, b12, W13, b13, g11, be11, g12, be12, g13, be13, g21, be21, g22, be22, g23, be23, Wp, bpb, W21, b21, W22, b22, W23, b23, Wf1, bf1, Wf2, bf2):
    src, dst = edge_index[0], edge_index[1]
    ew = edge_attr
    x11 = _bn(_gcn(x, W11, b11, src, dst, ew, N), g11, be11)
    x12 = _bn(_gcn(x11, W12, b12, src, dst, ew, N), g12, be12)
    x13 = _bn(_gcn(x12, W13, b13, src, dst, ew, N), g13, be13)
    x1 = jnp.concatenate([x11, x12, x13], axis=-1)
    x1_out = jnp.max(x1.reshape(G, NPG, -1), axis=1)
    betas = [0.4, 0.3, 0.3, 0.3, 0.2, 0.2, 0.2]
    s_list = [_bp(src, dst, ew, N, q, b) for q, b in zip(range(2, 9), betas)]
    s1 = jnp.concatenate(s_list, axis=-1) @ Wp + bpb
    p1_ml = _modularity_reg(s1, src, dst, ew)
    gid = src // NPG
    adj = jnp.zeros((G, NPG, NPG), jnp.float32).at[gid, src % NPG, dst % NPG].add(ew)
    p1_x, p1_adj, p1_ll, p1_el = _dense_diff_pool(x13.reshape(G, NPG, -1), adj, s1.reshape(G, NPG, -1))
    h = _dgcn(p1_x, p1_adj, W21, b21)
    x21 = _bn(h.reshape(-1, 30), g21, be21).reshape(G, K, 30)
    h = _dgcn(x21, p1_adj, W22, b22)
    x22 = _bn(h.reshape(-1, 30), g22, be22).reshape(G, K, 30)
    h = _dgcn(x22, p1_adj, W23, b23)
    x23 = _bn(h.reshape(-1, 30), g23, be23).reshape(G, K, 30)
    x2 = jnp.concatenate([x21, x22, x23], axis=-1)
    x2_out = jnp.max(x2, axis=1)
    conv_out = jnp.concatenate([x1_out, x2_out], axis=-1)
    out = jax.nn.relu(conv_out @ Wf1 + bf1) @ Wf2 + bf2
    reg = p1_el + p1_ml
    return (out, reg)

if __name__ == "__main__":
    import jax
    _d = setup_inputs()
    print(jax.jit(kernel)(*tuple(_d.values())))

</pallas_src>

<mosaic_0001>
module attributes {stable_mosaic.version = 14 : i64} {
  func.func @_mega(%arg0: memref<20x500x500xf32, #tpu.memory_space<vmem>>, %arg1: memref<20x500x3xf32, #tpu.memory_space<vmem>>, %arg2: memref<20x500x35xf32, #tpu.memory_space<vmem>>, %arg3: memref<20x500x35xf32, #tpu.memory_space<vmem>>, %arg4: memref<1x35xf32, #tpu.memory_space<vmem>>, %arg5: memref<35x35xf32, #tpu.memory_space<vmem>>, %arg6: memref<3x30xf32, #tpu.memory_space<vmem>>, %arg7: memref<30xf32, #tpu.memory_space<vmem>>, %arg8: memref<30x30xf32, #tpu.memory_space<vmem>>, %arg9: memref<30xf32, #tpu.memory_space<vmem>>, %arg10: memref<30x30xf32, #tpu.memory_space<vmem>>, %arg11: memref<30xf32, #tpu.memory_space<vmem>>, %arg12: memref<30xf32, #tpu.memory_space<vmem>>, %arg13: memref<30xf32, #tpu.memory_space<vmem>>, %arg14: memref<30xf32, #tpu.memory_space<vmem>>, %arg15: memref<30xf32, #tpu.memory_space<vmem>>, %arg16: memref<30xf32, #tpu.memory_space<vmem>>, %arg17: memref<30xf32, #tpu.memory_space<vmem>>, %arg18: memref<30xf32, #tpu.memory_space<vmem>>, %arg19: memref<30xf32, #tpu.memory_space<vmem>>, %arg20: memref<30xf32, #tpu.memory_space<vmem>>, %arg21: memref<30xf32, #tpu.memory_space<vmem>>, %arg22: memref<30xf32, #tpu.memory_space<vmem>>, %arg23: memref<30xf32, #tpu.memory_space<vmem>>, %arg24: memref<35x100xf32, #tpu.memory_space<vmem>>, %arg25: memref<100xf32, #tpu.memory_space<vmem>>, %arg26: memref<30x30xf32, #tpu.memory_space<vmem>>, %arg27: memref<30xf32, #tpu.memory_space<vmem>>, %arg28: memref<30x30xf32, #tpu.memory_space<vmem>>, %arg29: memref<30xf32, #tpu.memory_space<vmem>>, %arg30: memref<30x30xf32, #tpu.memory_space<vmem>>, %arg31: memref<30xf32, #tpu.memory_space<vmem>>, %arg32: memref<180x50xf32, #tpu.memory_space<vmem>>, %arg33: memref<50xf32, #tpu.memory_space<vmem>>, %arg34: memref<50x6xf32, #tpu.memory_space<vmem>>, %arg35: memref<6xf32, #tpu.memory_space<vmem>>, %arg36: memref<20x6xf32, #tpu.memory_space<vmem>>, %arg37: memref<1x1xf32, #tpu.memory_space<vmem>>, %arg38: memref<20x500x1xf32, #tpu.memory_space<vmem>>, %arg39: memref<20x500x30xf32, #tpu.memory_space<vmem>>, %arg40: memref<20x500x30xf32, #tpu.memory_space<vmem>>, %arg41: memref<20x500x30xf32, #tpu.memory_space<vmem>>, %arg42: memref<20x500x30xf32, #tpu.memory_space<vmem>>, %arg43: memref<20x500x35xf32, #tpu.memory_space<vmem>>, %arg44: memref<20x100x30xf32, #tpu.memory_space<vmem>>, %arg45: memref<20x100x100xf32, #tpu.memory_space<vmem>>, %arg46: memref<20x100x30xf32, #tpu.memory_space<vmem>>, %arg47: memref<20x100x30xf32, #tpu.memory_space<vmem>>, %arg48: memref<20x100x30xf32, #tpu.memory_space<vmem>>, %arg49: memref<20x100x30xf32, #tpu.memory_space<vmem>>, %arg50: memref<20x90xf32, #tpu.memory_space<vmem>>, %arg51: memref<20x90xf32, #tpu.memory_space<vmem>>) attributes {dimension_semantics = [], scalar_prefetch = 0 : i64, scratch_operands = 14 : i64, tpu.core_type = #tpu.core_type<tc>} {
    %broadcast_in_dim3A = arith.constant 1.000000e+00 : f32
    %broadcast_in_dim3A_0 = vector.broadcast %broadcast_in_dim3A : f32 to vector<500x1xf32>
    %scan3A = arith.constant 0 : i32
    %scan3A_1 = arith.constant 20 : i32
    %scan3A_2 = arith.addi %scan3A, %scan3A_1 : i32
    %scan3A_3 = arith.constant 1 : i32
    scf.for %scan3A_316 = %scan3A to %scan3A_2 step %scan3A_3  : i32 {
      %get3A_317 = arith.index_cast %scan3A_316 : i32 to index
      %get3A_318 = arith.constant 0 : index
      %get3A_319 = arith.constant 0 : index
      %get3A_320 = vector.load %arg0[%get3A_317, %get3A_318, %get3A_319] : memref<20x500x500xf32, #tpu.memory_space<vmem>>, vector<1x500x500xf32>
      %squeeze3A = vector.shape_cast %get3A_320 : vector<1x500x500xf32> to vector<500x500xf32>
      %dot_general3A_321 = arith.constant dense<0.000000e+00> : vector<500x1xf32>
      %dot_general3A_322 = tpu.matmul %squeeze3A, %broadcast_in_dim3A_0, %dot_general3A_321 {dimension_numbers = #tpu.dot_dimension_numbers<[0], [0], [1], [1], [0, 1, 1, 1], [], []>, precision = #tpu.contract_precision<fp32>, transpose_lhs_hint = false} : vector<500x500xf32>, vector<500x1xf32>, vector<500x1xf32> -> vector<500x1xf32>
      %add3A_323 = arith.constant 1.000000e+00 : f32
      %add3A_324 = vector.broadcast %add3A_323 : f32 to vector<500x1xf32>
      %add3A_325 = arith.addf %dot_general3A_322, %add3A_324 : vector<500x1xf32>
      %rsqrt3A_326 = math.rsqrt %add3A_325 : vector<500x1xf32>
      %broadcast_in_dim3A_327 = vector.shape_cast %rsqrt3A_326 : vector<500x1xf32> to vector<1x500x1xf32>
      %swap3A_328 = arith.index_cast %scan3A_316 : i32 to index
      %swap3A_329 = arith.constant 0 : index
      %swap3A_330 = arith.constant 0 : index
      %swap3A_331 = vector.load %arg38[%swap3A_328, %swap3A_329, %swap3A_330] : memref<20x500x1xf32, #tpu.memory_space<vmem>>, vector<1x500x1xf32>
      tpu.vector_store %arg38[%swap3A_328, %swap3A_329, %swap3A_330], %broadcast_in_dim3A_327 {strides = array<i32>} : memref<20x500x1xf32, #tpu.memory_space<vmem>>, vector<1x500x1xf32>,
    }
    %scan3A_4 = arith.constant 20 : i32
    %get3A = arith.constant 0 : index
    %get3A_5 = arith.constant 0 : index
    %get3A_6 = vector.load %arg6[%get3A, %get3A_5] : memref<3x30xf32, #tpu.memory_space<vmem>>, vector<3x30xf32>
    %get3A_7 = arith.constant 0 : index
    %get3A_8 = vector.load %arg7[%get3A_7] : memref<30xf32, #tpu.memory_space<vmem>>, vector<30xf32>
    %broadcast_in_dim3A_9 = arith.constant 0.000000e+00 : f32
    %broadcast_in_dim3A_10 = vector.broadcast %broadcast_in_dim3A_9 : f32 to vector<1x30xf32>
    %scan3A_11 = arith.constant 0 : i32
    %scan3A_12 = arith.constant 20 : i32
    %scan3A_13 = arith.addi %scan3A_11, %scan3A_12 : i32
    %scan3A_14 = arith.constant 1 : i32
    %scan3A_15 = scf.for %scan3A_316 = %scan3A_11 to %scan3A_13 step %scan3A_14 iter_args(%scan3A_317 = %broadcast_in_dim3A_10) -> (vector<1x30xf32>)  : i32 {
      %get3A_318 = arith.index_cast %scan3A_316 : i32 to index
      %get3A_319 = arith.constant 0 : index
      %get3A_320 = arith.constant 0 : index
      %get3A_321 = vector.load %arg1[%get3A_318, %get3A_319, %get3A_320] : memref<20x500x3xf32, #tpu.memory_space<vmem>>, vector<1x500x3xf32>
      %squeeze3A = vector.shape_cast %get3A_321 : vector<1x500x3xf32> to vector<500x3xf32>
      %dot_general3A_322 = arith.constant dense<0.000000e+00> : vector<500x30xf32>
      %dot_general3A_323 = tpu.matmul %squeeze3A, %get3A_6, %dot_general3A_322 {dimension_numbers = #tpu.dot_dimension_numbers<[1], [0], [0], [1], [0, 0, 1, 1], [], []>, precision = #tpu.contract_precision<fp32>, transpose_lhs_hint = false} : vector<500x3xf32>, vector<3x30xf32>, vector<500x30xf32> -> vector<500x30xf32>
      %get3A_324 = arith.index_cast %scan3A_316 : i32 to index
      %get3A_325 = arith.constant 0 : index
      %get3A_326 = arith.constant 0 : index
      %get3A_327 = vector.load %arg0[%get3A_324, %get3A_325, %get3A_326] : memref<20x500x500xf32, #tpu.memory_space<vmem>>, vector<1x500x500xf32>
      %squeeze3A_328 = vector.shape_cast %get3A_327 : vector<1x500x500xf32> to vector<500x500xf32>
      %get3A_329 = arith.index_cast %scan3A_316 : i32 to index
      %get3A_330 = arith.constant 0 : index
      %get3A_331 = arith.constant 0 : index
      %get3A_332 = vector.load %arg38[%get3A_329, %get3A_330, %get3A_331] : memref<20x500x1xf32, #tpu.memory_space<vmem>>, vector<1x500x1xf32>
      %squeeze3A_333 = vector.shape_cast %get3A_332 : vector<1x500x1xf32> to vector<500x1xf32>
      %mul3A_334 = vector.broadcast %squeeze3A_333 : vector<500x1xf32> to vector<500x30xf32>
      %mul3A_335 = arith.mulf %dot_general3A_323, %mul3A_334 : vector<500x30xf32>
      %dot_general3A_336 = arith.constant dense<0.000000e+00> : vector<500x30xf32>
      %dot_general3A_337 = tpu.matmul %squeeze3A_328, %mul3A_335, %dot_general3A_336 {dimension_numbers = #tpu.dot_dimension_numbers<[0], [0], [1], [1], [0, 1, 1, 1], [], []>, precision = #tpu.contract_precision<fp32>, transpose_lhs_hint = false} : vector<500x500xf32>, vector<500x30xf32>, vector<500x30xf32> -> vector<500x30xf32>
      %mul3A_338 = vector.broadcast %squeeze3A_333 : vector<500x1xf32> to vector<500x30xf32>
      %mul3A_339 = arith.mulf %dot_general3A_337, %mul3A_338 : vector<500x30xf32>
      %mul3A_340 = arith.mulf %squeeze3A_333, %squeeze3A_333 : vector<500x1xf32>
      %mul3A_341 = vector.broadcast %mul3A_340 : vector<500x1xf32> to vector<500x30xf32>
      %mul3A_342 = arith.mulf %dot_general3A_323, %mul3A_341 : vector<500x30xf32>
      %add3A_343 = arith.addf %mul3A_339, %mul3A_342 : vector<500x30xf32>
      %broadcast_in_dim3A_344 = vector.shape_cast %get3A_8 : vector<30xf32> to vector<1x30xf32>
      %add3A_345 = vector.broadcast %broadcast_in_dim3A_344 : vector<1x30xf32> to vector<500x30xf32>
      %add3A_346 = arith.addf %add3A_343, %add3A_345 : vector<500x30xf32>
      %broadcast_in_dim3A_347 = vector.shape_cast %add3A_346 : vector<500x30xf32> to vector<1x500x30xf32>
      %swap3A_348 = arith.index_cast %scan3A_316 : i32 to index
      %swap3A_349 = arith.constant 0 : index
      %swap3A_350 = arith.constant 0 : index
      %swap3A_351 = vector.load %arg39[%swap3A_348, %swap3A_349, %swap3A_350] : memref<20x500x30xf32, #tpu.memory_space<vmem>>, vector<1x500x30xf32>
      tpu.vector_store %arg39[%swap3A_348, %swap3A_349, %swap3A_350], %broadcast_in_dim3A_347 {strides = array<i32>} : memref<20x500x30xf32, #tpu.memory_space<vmem>>, vector<1x500x30xf32>,
      %reduce_sum3A = arith.constant dense<0.000000e+00> : vector<30xf32>
      %reduce_sum3A_352 = vector.multi_reduction <add>, %add3A_346, %reduce_sum3A [0] : vector<500x30xf32> to vector<30xf32>
      %broadcast_in_dim3A_353 = vector.shape_cast %reduce_sum3A_352 : vector<30xf32> to vector<1x30xf32>
      %add3A_354 = arith.addf %scan3A_317, %broadcast_in_dim3A_353 : vector<1x30xf32>
      scf.yield %add3A_354 : vector<1x30xf32>
    }
    %scan3A_16 = arith.constant 20 : i32
    %get3A_17 = arith.constant 0 : index
    %get3A_18 = vector.load %arg12[%get3A_17] : memref<30xf32, #tpu.memory_space<vmem>>, vector<30xf32>
    %get3A_19 = arith.constant 0 : index
    %get3A_20 = vector.load %arg13[%get3A_19] : memref<30xf32, #tpu.memory_space<vmem>>, vector<30xf32>
    %get3A_21 = arith.constant 0 : index
    %get3A_22 = arith.constant 0 : index
    %get3A_23 = vector.load %arg8[%get3A_21, %get3A_22] : memref<30x30xf32, #tpu.memory_space<vmem>>, vector<30x30xf32>
    %get3A_24 = arith.constant 0 : index
    %get3A_25 = vector.load %arg9[%get3A_24] : memref<30xf32, #tpu.memory_space<vmem>>, vector<30xf32>
    %div3A = arith.constant 1.000000e+04 : f32
    %div3A_26 = vector.broadcast %div3A : f32 to vector<1x30xf32>
    %div3A_27 = arith.divf %scan3A_15, %div3A_26 : vector<1x30xf32>
    %scan3A_28 = arith.constant 0 : i32
    %scan3A_29 = arith.constant 20 : i32
    %scan3A_30 = arith.addi %scan3A_28, %scan3A_29 : i32
    %scan3A_31 = arith.constant 1 : i32
    %scan3A_32 = scf.for %scan3A_316 = %scan3A_28 to %scan3A_30 step %scan3A_31 iter_args(%scan3A_317 = %broadcast_in_dim3A_10) -> (vector<1x30xf32>)  : i32 {
      %get3A_318 = arith.index_cast %scan3A_316 : i32 to index
      %get3A_319 = arith.constant 0 : index
      %get3A_320 = arith.constant 0 : index
      %get3A_321 = vector.load %arg39[%get3A_318, %get3A_319, %get3A_320] : memref<20x500x30xf32, #tpu.memory_space<vmem>>, vector<1x500x30xf32>
      %squeeze3A = vector.shape_cast %get3A_321 : vector<1x500x30xf32> to vector<500x30xf32>
      %sub3A_322 = vector.broadcast %div3A_27 : vector<1x30xf32> to vector<500x30xf32>
      %sub3A_323 = arith.subf %squeeze3A, %sub3A_322 : vector<500x30xf32>
      %mul3A_324 = arith.mulf %sub3A_323, %sub3A_323 : vector<500x30xf32>
      %reduce_sum3A = arith.constant dense<0.000000e+00> : vector<30xf32>
      %reduce_sum3A_325 = vector.multi_reduction <add>, %mul3A_324, %reduce_sum3A [0] : vector<500x30xf32> to vector<30xf32>
      %broadcast_in_dim3A_326 = vector.shape_cast %reduce_sum3A_325 : vector<30xf32> to vector<1x30xf32>
      %add3A_327 = arith.addf %scan3A_317, %broadcast_in_dim3A_326 : vector<1x30xf32>
      scf.yield %add3A_327 : vector<1x30xf32>
    }
    %scan3A_33 = arith.constant 20 : i32
    %div3A_34 = arith.constant 1.000000e+04 : f32
    %div3A_35 = vector.broadcast %div3A_34 : f32 to vector<1x30xf32>
    %div3A_36 = arith.divf %scan3A_32, %div3A_35 : vector<1x30xf32>
    %add3A = arith.constant 9.99999974E-6 : f32
    %add3A_37 = vector.broadcast %add3A : f32 to vector<1x30xf32>
    %add3A_38 = arith.addf %div3A_36, %add3A_37 : vector<1x30xf32>
    %rsqrt3A = math.rsqrt %add3A_38 : vector<1x30xf32>
    %broadcast_in_dim3A_39 = vector.shape_cast %get3A_18 : vector<30xf32> to vector<1x30xf32>
    %mul3A = arith.mulf %rsqrt3A, %broadcast_in_dim3A_39 : vector<1x30xf32>
    %mul3A_40 = arith.mulf %div3A_27, %mul3A : vector<1x30xf32>
    %broadcast_in_dim3A_41 = vector.shape_cast %get3A_20 : vector<30xf32> to vector<1x30xf32>
    %sub3A = arith.subf %broadcast_in_dim3A_41, %mul3A_40 : vector<1x30xf32>
    %scan3A_42 = arith.constant 0 : i32
    %scan3A_43 = arith.constant 20 : i32
    %scan3A_44 = arith.addi %scan3A_42, %scan3A_43 : i32
    %scan3A_45 = arith.constant 1 : i32
    %scan3A_46 = scf.for %scan3A_316 = %scan3A_42 to %scan3A_44 step %scan3A_45 iter_args(%scan3A_317 = %broadcast_in_dim3A_10) -> (vector<1x30xf32>)  : i32 {
      %get3A_318 = arith.index_cast %scan3A_316 : i32 to index
      %get3A_319 = arith.constant 0 : index
      %get3A_320 = arith.constant 0 : index
      %get3A_321 = vector.load %arg39[%get3A_318, %get3A_319, %get3A_320] : memref<20x500x30xf32, #tpu.memory_space<vmem>>, vector<1x500x30xf32>
      %squeeze3A = vector.shape_cast %get3A_321 : vector<1x500x30xf32> to vector<500x30xf32>
      %mul3A_322 = vector.broadcast %mul3A : vector<1x30xf32> to vector<500x30xf32>
      %mul3A_323 = arith.mulf %squeeze3A, %mul3A_322 : vector<500x30xf32>
      %add3A_324 = vector.broadcast %sub3A : vector<1x30xf32> to vector<500x30xf32>
      %add3A_325 = arith.addf %mul3A_323, %add3A_324 : vector<500x30xf32>
      %broadcast_in_dim3A_326 = vector.shape_cast %add3A_325 : vector<500x30xf32> to vector<1x500x30xf32>
      %swap3A_327 = arith.index_cast %scan3A_316 : i32 to index
      %swap3A_328 = arith.constant 0 : index
      %swap3A_329 = arith.constant 0 : index
      %swap3A_330 = vector.load %arg40[%swap3A_327, %swap3A_328, %swap3A_329] : memref<20x500x30xf32, #tpu.memory_space<vmem>>, vector<1x500x30xf32>
      tpu.vector_store %arg40[%swap3A_327, %swap3A_328, %swap3A_329], %broadcast_in_dim3A_326 {strides = array<i32>} : memref<20x500x30xf32, #tpu.memory_space<vmem>>, vector<1x500x30xf32>,
      %reduce_max3A = arith.constant dense<0xFF800000> : vector<30xf32>
      %reduce_max3A_331 = vector.multi_reduction <maximumf>, %add3A_325, %reduce_max3A [0] : vector<500x30xf32> to vector<30xf32>
      %broadcast_in_dim3A_332 = vector.shape_cast %reduce_max3A_331 : vector<30xf32> to vector<1x30xf32>
      %swap3A_333 = arith.index_cast %scan3A_316 : i32 to index
      %swap3A_334 = arith.constant 0 : index
      %swap3A_335 = vector.load %arg50[%swap3A_333, %swap3A_334] : memref<20x90xf32, #tpu.memory_space<vmem>>, vector<1x30xf32>
      tpu.vector_store %arg50[%swap3A_333, %swap3A_334], %broadcast_in_dim3A_332 {strides = array<i32>} : memref<20x90xf32, #tpu.memory_space<vmem>>, vector<1x30xf32>,
      %dot_general3A_336 = arith.constant dense<0.000000e+00> : vector<500x30xf32>
      %dot_general3A_337 = tpu.matmul %add3A_325, %get3A_23, %dot_general3A_336 {dimension_numbers = #tpu.dot_dimension_numbers<[1], [0], [0], [1], [0, 0, 1, 1], [], []>, precision = #tpu.contract_precision<fp32>, transpose_lhs_hint = false} : vector<500x30xf32>, vector<30x30xf32>, vector<500x30xf32> -> vector<500x30xf32>
      %get3A_338 = arith.index_cast %scan3A_316 : i32 to index
      %get3A_339 = arith.constant 0 : index
      %get3A_340 = arith.constant 0 : index
      %get3A_341 = vector.load %arg0[%get3A_338, %get3A_339, %get3A_340] : memref<20x500x500xf32, #tpu.memory_space<vmem>>, vector<1x500x500xf32>
      %squeeze3A_342 = vector.shape_cast %get3A_341 : vector<1x500x500xf32> to vector<500x500xf32>
      %get3A_343 = arith.index_cast %scan3A_316 : i32 to index
      %get3A_344 = arith.constant 0 : index
      %get3A_345 = arith.constant 0 : index
      %get3A_346 = vector.load %arg38[%get3A_343, %get3A_344, %get3A_345] : memref<20x500x1xf32, #tpu.memory_space<vmem>>, vector<1x500x1xf32>
      %squeeze3A_347 = vector.shape_cast %get3A_346 : vector<1x500x1xf32> to vector<500x1xf32>
      %mul3A_348 = vector.broadcast %squeeze3A_347 : vector<500x1xf32> to vector<500x30xf32>
      %mul3A_349 = arith.mulf %dot_general3A_337, %mul3A_348 : vector<500x30xf32>
      %dot_general3A_350 = arith.constant dense<0.000000e+00> : vector<500x30xf32>
      %dot_general3A_351 = tpu.matmul %squeeze3A_342, %mul3A_349, %dot_general3A_350 {dimension_numbers = #tpu.dot_dimension_numbers<[0], [0], [1], [1], [0, 1, 1, 1], [], []>, precision = #tpu.contract_precision<fp32>, transpose_lhs_hint = false} : vector<500x500xf32>, vector<500x30xf32>, vector<500x30xf32> -> vector<500x30xf32>
      %mul3A_352 = vector.broadcast %squeeze3A_347 : vector<500x1xf32> to vector<500x30xf32>
      %mul3A_353 = arith.mulf %dot_general3A_351, %mul3A_352 : vector<500x30xf32>
      %mul3A_354 = arith.mulf %squeeze3A_347, %squeeze3A_347 : vector<500x1xf32>
      %mul3A_355 = vector.broadcast %mul3A_354 : vector<500x1xf32> to vector<500x30xf32>
      %mul3A_356 = arith.mulf %dot_general3A_337, %mul3A_355 : vector<500x30xf32>
      %add3A_357 = arith.addf %mul3A_353, %mul3A_356 : vector<500x30xf32>
      %broadcast_in_dim3A_358 = vector.shape_cast %get3A_25 : vector<30xf32> to vector<1x30xf32>
      %add3A_359 = vector.broadcast %broadcast_in_dim3A_358 : vector<1x30xf32> to vector<500x30xf32>
      %add3A_360 = arith.addf %add3A_357, %add3A_359 : vector<500x30xf32>
      %broadcast_in_dim3A_361 = vector.shape_cast %add3A_360 : vector<500x30xf32> to vector<1x500x30xf32>
      %swap3A_362 = arith.index_cast %scan3A_316 : i32 to index
      %swap3A_363 = arith.constant 0 : index
      %swap3A_364 = arith.constant 0 : index
      %swap3A_365 = vector.load %arg39[%swap3A_362, %swap3A_363, %swap3A_364] : memref<20x500x30xf32, #tpu.memory_space<vmem>>, vector<1x500x30xf32>
      tpu.vector_store %arg39[%swap3A_362, %swap3A_363, %swap3A_364], %broadcast_in_dim3A_361 {strides = array<i32>} : memref<20x500x30xf32, #tpu.memory_space<vmem>>, vector<1x500x30xf32>,
      %reduce_sum3A = arith.constant dense<0.000000e+00> : vector<30xf32>
      %reduce_sum3A_366 = vector.multi_reduction <add>, %add3A_360, %reduce_sum3A [0] : vector<500x30xf32> to vector<30xf32>
      %broadcast_in_dim3A_367 = vector.shape_cast %reduce_sum3A_366 : vector<30xf32> to vector<1x30xf32>
      %add3A_368 = arith.addf %scan3A_317, %broadcast_in_dim3A_367 : vector<1x30xf32>
      scf.yield %add3A_368 : vector<1x30xf32>
    }
    %scan3A_47 = arith.constant 20 : i32
    %get3A_48 = arith.constant 0 : index
    %get3A_49 = vector.load %arg14[%get3A_48] : memref<30xf32, #tpu.memory_space<vmem>>, vector<30xf32>
    %get3A_50 = arith.constant 0 : index
    %get3A_51 = vector.load %arg15[%get3A_50] : memref<30xf32, #tpu.memory_space<vmem>>, vector<30xf32>
    %get3A_52 = arith.constant 0 : index
    %get3A_53 = arith.constant 0 : index
    %get3A_54 = vector.load %arg10[%get3A_52, %get3A_53] : memref<30x30xf32, #tpu.memory_space<vmem>>, vector<30x30xf32>
    %get3A_55 = arith.constant 0 : index
    %get3A_56 = vector.load %arg11[%get3A_55] : memref<30xf32, #tpu.memory_space<vmem>>, vector<30xf32>
    %div3A_57 = arith.constant 1.000000e+04 : f32
    %div3A_58 = vector.broadcast %div3A_57 : f32 to vector<1x30xf32>
    %div3A_59 = arith.divf %scan3A_46, %div3A_58 : vector<1x30xf32>
    %scan3A_60 = arith.constant 0 : i32
    %scan3A_61 = arith.constant 20 : i32
    %scan3A_62 = arith.addi %scan3A_60, %scan3A_61 : i32
    %scan3A_63 = arith.constant 1 : i32
    %scan3A_64 = scf.for %scan3A_316 = %scan3A_60 to %scan3A_62 step %scan3A_63 iter_args(%scan3A_317 = %broadcast_in_dim3A_10) -> (vector<1x30xf32>)  : i32 {
      %get3A_318 = arith.index_cast %scan3A_316 : i32 to index
      %get3A_319 = arith.constant 0 : index
      %get3A_320 = arith.constant 0 : index
      %get3A_321 = vector.load %arg39[%get3A_318, %get3A_319, %get3A_320] : memref<20x500x30xf32, #tpu.memory_space<vmem>>, vector<1x500x30xf32>
      %squeeze3A = vector.shape_cast %get3A_321 : vector<1x500x30xf32> to vector<500x30xf32>
      %sub3A_322 = vector.broadcast %div3A_59 : vector<1x30xf32> to vector<500x30xf32>
      %sub3A_323 = arith.subf %squeeze3A, %sub3A_322 : vector<500x30xf32>
      %mul3A_324 = arith.mulf %sub3A_323, %sub3A_323 : vector<500x30xf32>
      %reduce_sum3A = arith.constant dense<0.000000e+00> : vector<30xf32>
      %reduce_sum3A_325 = vector.multi_reduction <add>, %mul3A_324, %reduce_sum3A [0] : vector<500x30xf32> to vector<30xf32>
      %broadcast_in_dim3A_326 = vector.shape_cast %reduce_sum3A_325 : vector<30xf32> to vector<1x30xf32>
      %add3A_327 = arith.addf %scan3A_317, %broadcast_in_dim3A_326 : vector<1x30xf32>
      scf.yield %add3A_327 : vector<1x30xf32>
    }
    %scan3A_65 = arith.constant 20 : i32
    %div3A_66 = arith.constant 1.000000e+04 : f32
    %div3A_67 = vector.broadcast %div3A_66 : f32 to vector<1x30xf32>
    %div3A_68 = arith.divf %scan3A_64, %div3A_67 : vector<1x30xf32>
    %add3A_69 = arith.constant 9.99999974E-6 : f32
    %add3A_70 = vector.broadcast %add3A_69 : f32 to vector<1x30xf32>
    %add3A_71 = arith.addf %div3A_68, %add3A_70 : vector<1x30xf32>
    %rsqrt3A_72 = math.rsqrt %add3A_71 : vector<1x30xf32>
    %broadcast_in_dim3A_73 = vector.shape_cast %get3A_49 : vector<30xf32> to vector<1x30xf32>
    %mul3A_74 = arith.mulf %rsqrt3A_72, %broadcast_in_dim3A_73 : vector<1x30xf32>
    %mul3A_75 = arith.mulf %div3A_59, %mul3A_74 : vector<1x30xf32>
    %broadcast_in_dim3A_76 = vector.shape_cast %get3A_51 : vector<30xf32> to vector<1x30xf32>
    %sub3A_77 = arith.subf %broadcast_in_dim3A_76, %mul3A_75 : vector<1x30xf32>
    %scan3A_78 = arith.constant 0 : i32
    %scan3A_79 = arith.constant 20 : i32
    %scan3A_80 = arith.addi %scan3A_78, %scan3A_79 : i32
    %scan3A_81 = arith.constant 1 : i32
    %scan3A_82 = scf.for %scan3A_316 = %scan3A_78 to %scan3A_80 step %scan3A_81 iter_args(%scan3A_317 = %broadcast_in_dim3A_10) -> (vector<1x30xf32>)  : i32 {
      %get3A_318 = arith.index_cast %scan3A_316 : i32 to index
      %get3A_319 = arith.constant 0 : index
      %get3A_320 = arith.constant 0 : index
      %get3A_321 = vector.load %arg39[%get3A_318, %get3A_319, %get3A_320] : memref<20x500x30xf32, #tpu.memory_space<vmem>>, vector<1x500x30xf32>
      %squeeze3A = vector.shape_cast %get3A_321 : vector<1x500x30xf32> to vector<500x30xf32>
      %mul3A_322 = vector.broadcast %mul3A_74 : vector<1x30xf32> to vector<500x30xf32>
      %mul3A_323 = arith.mulf %squeeze3A, %mul3A_322 : vector<500x30xf32>
      %add3A_324 = vector.broadcast %sub3A_77 : vector<1x30xf32> to vector<500x30xf32>
      %add3A_325 = arith.addf %mul3A_323, %add3A_324 : vector<500x30xf32>
      %broadcast_in_dim3A_326 = vector.shape_cast %add3A_325 : vector<500x30xf32> to vector<1x500x30xf32>
      %swap3A_327 = arith.index_cast %scan3A_316 : i32 to index
      %swap3A_328 = arith.constant 0 : index
      %swap3A_329 = arith.constant 0 : index
      %swap3A_330 = vector.load %arg41[%swap3A_327, %swap3A_328, %swap3A_329] : memref<20x500x30xf32, #tpu.memory_space<vmem>>, vector<1x500x30xf32>
      tpu.vector_store %arg41[%swap3A_327, %swap3A_328, %swap3A_329], %broadcast_in_dim3A_326 {strides = array<i32>} : memref<20x500x30xf32, #tpu.memory_space<vmem>>, vector<1x500x30xf32>,
      %reduce_max3A = arith.constant dense<0xFF800000> : vector<30xf32>
      %reduce_max3A_331 = vector.multi_reduction <maximumf>, %add3A_325, %reduce_max3A [0] : vector<500x30xf32> to vector<30xf32>
      %broadcast_in_dim3A_332 = vector.shape_cast %reduce_max3A_331 : vector<30xf32> to vector<1x30xf32>
      %swap3A_333 = arith.index_cast %scan3A_316 : i32 to index
      %swap3A_334 = arith.constant 30 : index
      %swap3A_335 = vector.load %arg50[%swap3A_333, %swap3A_334] : memref<20x90xf32, #tpu.memory_space<vmem>>, vector<1x30xf32>
      tpu.vector_store %arg50[%swap3A_333, %swap3A_334], %broadcast_in_dim3A_332 {strides = array<i32>} : memref<20x90xf32, #tpu.memory_space<vmem>>, vector<1x30xf32>,
      %dot_general3A_336 = arith.constant dense<0.000000e+00> : vector<500x30xf32>
      %dot_general3A_337 = tpu.matmul %add3A_325, %get3A_54, %dot_general3A_336 {dimension_numbers = #tpu.dot_dimension_numbers<[1], [0], [0], [1], [0, 0, 1, 1], [], []>, precision = #tpu.contract_precision<fp32>, transpose_lhs_hint = false} : vector<500x30xf32>, vector<30x30xf32>, vector<500x30xf32> -> vector<500x30xf32>
      %get3A_338 = arith.index_cast %scan3A_316 : i32 to index
      %get3A_339 = arith.constant 0 : index
      %get3A_340 = arith.constant 0 : index
      %get3A_341 = vector.load %arg0[%get3A_338, %get3A_339, %get3A_340] : memref<20x500x500xf32, #tpu.memory_space<vmem>>, vector<1x500x500xf32>
      %squeeze3A_342 = vector.shape_cast %get3A_341 : vector<1x500x500xf32> to vector<500x500xf32>
      %get3A_343 = arith.index_cast %scan3A_316 : i32 to index
      %get3A_344 = arith.constant 0 : index
      %get3A_345 = arith.constant 0 : index
      %get3A_346 = vector.load %arg38[%get3A_343, %get3A_344, %get3A_345] : memref<20x500x1xf32, #tpu.memory_space<vmem>>, vector<1x500x1xf32>
      %squeeze3A_347 = vector.shape_cast %get3A_346 : vector<1x500x1xf32> to vector<500x1xf32>
      %mul3A_348 = vector.broadcast %squeeze3A_347 : vector<500x1xf32> to vector<500x30xf32>
      %mul3A_349 = arith.mulf %dot_general3A_337, %mul3A_348 : vector<500x30xf32>
      %dot_general3A_350 = arith.constant dense<0.000000e+00> : vector<500x30xf32>
      %dot_general3A_351 = tpu.matmul %squeeze3A_342, %mul3A_349, %dot_general3A_350 {dimension_numbers = #tpu.dot_dimension_numbers<[0], [0], [1], [1], [0, 1, 1, 1], [], []>, precision = #tpu.contract_precision<fp32>, transpose_lhs_hint = false} : vector<500x500xf32>, vector<500x30xf32>, vector<500x30xf32> -> vector<500x30xf32>
      %mul3A_352 = vector.broadcast %squeeze3A_347 : vector<500x1xf32> to vector<500x30xf32>
      %mul3A_353 = arith.mulf %dot_general3A_351, %mul3A_352 : vector<500x30xf32>
      %mul3A_354 = arith.mulf %squeeze3A_347, %squeeze3A_347 : vector<500x1xf32>
      %mul3A_355 = vector.broadcast %mul3A_354 : vector<500x1xf32> to vector<500x30xf32>
      %mul3A_356 = arith.mulf %dot_general3A_337, %mul3A_355 : vector<500x30xf32>
      %add3A_357 = arith.addf %mul3A_353, %mul3A_356 : vector<500x30xf32>
      %broadcast_in_dim3A_358 = vector.shape_cast %get3A_56 : vector<30xf32> to vector<1x30xf32>
      %add3A_359 = vector.broadcast %broadcast_in_dim3A_358 : vector<1x30xf32> to vector<500x30xf32>
      %add3A_360 = arith.addf %add3A_357, %add3A_359 : vector<500x30xf32>
      %broadcast_in_dim3A_361 = vector.shape_cast %add3A_360 : vector<500x30xf32> to vector<1x500x30xf32>
      %swap3A_362 = arith.index_cast %scan3A_316 : i32 to index
      %swap3A_363 = arith.constant 0 : index
      %swap3A_364 = arith.constant 0 : index
      %swap3A_365 = vector.load %arg39[%swap3A_362, %swap3A_363, %swap3A_364] : memref<20x500x30xf32, #tpu.memory_space<vmem>>, vector<1x500x30xf32>
      tpu.vector_store %arg39[%swap3A_362, %swap3A_363, %swap3A_364], %broadcast_in_dim3A_361 {strides = array<i32>} : memref<20x500x30xf32, #tpu.memory_space<vmem>>, vector<1x500x30xf32>,
      %reduce_sum3A = arith.constant dense<0.000000e+00> : vector<30xf32>
      %reduce_sum3A_366 = vector.multi_reduction <add>, %add3A_360, %reduce_sum3A [0] : vector<500x30xf32> to vector<30xf32>
      %broadcast_in_dim3A_367 = vector.shape_cast %reduce_sum3A_366 : vector<30xf32> to vector<1x30xf32>
      %add3A_368 = arith.addf %scan3A_317, %broadcast_in_dim3A_367 : vector<1x30xf32>
      scf.yield %add3A_368 : vector<1x30xf32>
    }
    %scan3A_83 = arith.constant 20 : i32
    %get3A_84 = arith.constant 0 : index
    %get3A_85 = vector.load %arg16[%get3A_84] : memref<30xf32, #tpu.memory_space<vmem>>, vector<30xf32>
    %get3A_86 = arith.constant 0 : index
    %get3A_87 = vector.load %arg17[%get3A_86] : memref<30xf32, #tpu.memory_space<vmem>>, vector<30xf32>
    %div3A_88 = arith.constant 1.000000e+04 : f32
    %div3A_89 = vector.broadcast %div3A_88 : f32 to vector<1x30xf32>
    %div3A_90 = arith.divf %scan3A_82, %div3A_89 : vector<1x30xf32>
    %scan3A_91 = arith.constant 0 : i32
    %scan3A_92 = arith.constant 20 : i32
    %scan3A_93 = arith.addi %scan3A_91, %scan3A_92 : i32
    %scan3A_94 = arith.constant 1 : i32
    %scan3A_95 = scf.for %scan3A_316 = %scan3A_91 to %scan3A_93 step %scan3A_94 iter_args(%scan3A_317 = %broadcast_in_dim3A_10) -> (vector<1x30xf32>)  : i32 {
      %get3A_318 = arith.index_cast %scan3A_316 : i32 to index
      %get3A_319 = arith.constant 0 : index
      %get3A_320 = arith.constant 0 : index
      %get3A_321 = vector.load %arg39[%get3A_318, %get3A_319, %get3A_320] : memref<20x500x30xf32, #tpu.memory_space<vmem>>, vector<1x500x30xf32>
      %squeeze3A = vector.shape_cast %get3A_321 : vector<1x500x30xf32> to vector<500x30xf32>
      %sub3A_322 = vector.broadcast %div3A_90 : vector<1x30xf32> to vector<500x30xf32>
      %sub3A_323 = arith.subf %squeeze3A, %sub3A_322 : vector<500x30xf32>
      %mul3A_324 = arith.mulf %sub3A_323, %sub3A_323 : vector<500x30xf32>
      %reduce_sum3A = arith.constant dense<0.000000e+00> : vector<30xf32>
      %reduce_sum3A_325 = vector.multi_reduction <add>, %mul3A_324, %reduce_sum3A [0] : vector<500x30xf32> to vector<30xf32>
      %broadcast_in_dim3A_326 = vector.shape_cast %reduce_sum3A_325 : vector<30xf32> to vector<1x30xf32>
      %add3A_327 = arith.addf %scan3A_317, %broadcast_in_dim3A_326 : vector<1x30xf32>
      scf.yield %add3A_327 : vector<1x30xf32>
    }
    %scan3A_96 = arith.constant 20 : i32
    %div3A_97 = arith.constant 1.000000e+04 : f32
    %div3A_98 = vector.broadcast %div3A_97 : f32 to vector<1x30xf32>
    %div3A_99 = arith.divf %scan3A_95, %div3A_98 : vector<1x30xf32>
    %add3A_100 = arith.constant 9.99999974E-6 : f32
    %add3A_101 = vector.broadcast %add3A_100 : f32 to vector<1x30xf32>
    %add3A_102 = arith.addf %div3A_99, %add3A_101 : vector<1x30xf32>
    %rsqrt3A_103 = math.rsqrt %add3A_102 : vector<1x30xf32>
    %broadcast_in_dim3A_104 = vector.shape_cast %get3A_85 : vector<30xf32> to vector<1x30xf32>
    %mul3A_105 = arith.mulf %rsqrt3A_103, %broadcast_in_dim3A_104 : vector<1x30xf32>
    %mul3A_106 = arith.mulf %div3A_90, %mul3A_105 : vector<1x30xf32>
    %broadcast_in_dim3A_107 = vector.shape_cast %get3A_87 : vector<30xf32> to vector<1x30xf32>
    %sub3A_108 = arith.subf %broadcast_in_dim3A_107, %mul3A_106 : vector<1x30xf32>
    %scan3A_109 = arith.constant 0 : i32
    %scan3A_110 = arith.constant 20 : i32
    %scan3A_111 = arith.addi %scan3A_109, %scan3A_110 : i32
    %scan3A_112 = arith.constant 1 : i32
    scf.for %scan3A_316 = %scan3A_109 to %scan3A_111 step %scan3A_112  : i32 {
      %get3A_317 = arith.index_cast %scan3A_316 : i32 to index
      %get3A_318 = arith.constant 0 : index
      %get3A_319 = arith.constant 0 : index
      %get3A_320 = vector.load %arg39[%get3A_317, %get3A_318, %get3A_319] : memref<20x500x30xf32, #tpu.memory_space<vmem>>, vector<1x500x30xf32>
      %squeeze3A = vector.shape_cast %get3A_320 : vector<1x500x30xf32> to vector<500x30xf32>
      %mul3A_321 = vector.broadcast %mul3A_105 : vector<1x30xf32> to vector<500x30xf32>
      %mul3A_322 = arith.mulf %squeeze3A, %mul3A_321 : vector<500x30xf32>
      %add3A_323 = vector.broadcast %sub3A_108 : vector<1x30xf32> to vector<500x30xf32>
      %add3A_324 = arith.addf %mul3A_322, %add3A_323 : vector<500x30xf32>
      %broadcast_in_dim3A_325 = vector.shape_cast %add3A_324 : vector<500x30xf32> to vector<1x500x30xf32>
      %swap3A_326 = arith.index_cast %scan3A_316 : i32 to index
      %swap3A_327 = arith.constant 0 : index
      %swap3A_328 = arith.constant 0 : index
      %swap3A_329 = vector.load %arg42[%swap3A_326, %swap3A_327, %swap3A_328] : memref<20x500x30xf32, #tpu.memory_space<vmem>>, vector<1x500x30xf32>
      tpu.vector_store %arg42[%swap3A_326, %swap3A_327, %swap3A_328], %broadcast_in_dim3A_325 {strides = array<i32>} : memref<20x500x30xf32, #tpu.memory_space<vmem>>, vector<1x500x30xf32>,
      %reduce_max3A = arith.constant dense<0xFF800000> : vector<30xf32>
      %reduce_max3A_330 = vector.multi_reduction <maximumf>, %add3A_324, %reduce_max3A [0] : vector<500x30xf32> to vector<30xf32>
      %broadcast_in_dim3A_331 = vector.shape_cast %reduce_max3A_330 : vector<30xf32> to vector<1x30xf32>
      %swap3A_332 = arith.index_cast %scan3A_316 : i32 to index
      %swap3A_333 = arith.constant 60 : index
      %swap3A_334 = vector.load %arg50[%swap3A_332, %swap3A_333] : memref<20x90xf32, #tpu.memory_space<vmem>>, vector<1x30xf32>
      tpu.vector_store %arg50[%swap3A_332, %swap3A_333], %broadcast_in_dim3A_331 {strides = array<i32>} : memref<20x90xf32, #tpu.memory_space<vmem>>, vector<1x30xf32>,
    }
    %scan3A_113 = arith.constant 20 : i32
    %get3A_114 = arith.constant 0 : index
    %get3A_115 = arith.constant 0 : index
    %get3A_116 = arith.constant 0 : index
    %get3A_117 = vector.load %arg2[%get3A_114, %get3A_115, %get3A_116] : memref<20x500x35xf32, #tpu.memory_space<vmem>>, vector<20x500x35xf32>
    %swap3A = arith.constant 0 : index
    %swap3A_118 = arith.constant 0 : index
    %swap3A_119 = arith.constant 0 : index
    %swap3A_120 = vector.load %arg43[%swap3A, %swap3A_118, %swap3A_119] : memref<20x500x35xf32, #tpu.memory_space<vmem>>, vector<20x500x35xf32>
    tpu.vector_store %arg43[%swap3A, %swap3A_118, %swap3A_119], %get3A_117 {strides = array<i32>} : memref<20x500x35xf32, #tpu.memory_space<vmem>>, vector<20x500x35xf32>,
    %get3A_121 = arith.constant 0 : index
    %get3A_122 = arith.constant 0 : index
    %get3A_123 = vector.load %arg4[%get3A_121, %get3A_122] : memref<1x35xf32, #tpu.memory_space<vmem>>, vector<1x35xf32>
    %get3A_124 = arith.constant 0 : index
    %get3A_125 = arith.constant 0 : index
    %get3A_126 = vector.load %arg5[%get3A_124, %get3A_125] : memref<35x35xf32, #tpu.memory_space<vmem>>, vector<35x35xf32>
    %scan3A_127 = arith.constant 0 : i32
    %scan3A_128 = arith.constant 20 : i32
    %scan3A_129 = arith.addi %scan3A_127, %scan3A_128 : i32
    %scan3A_130 = arith.constant 1 : i32
    scf.for %scan3A_316 = %scan3A_127 to %scan3A_129 step %scan3A_130  : i32 {
      %get3A_317 = arith.index_cast %scan3A_316 : i32 to index
      %get3A_318 = arith.constant 0 : index
      %get3A_319 = arith.constant 0 : index
      %get3A_320 = vector.load %arg0[%get3A_317, %get3A_318, %get3A_319] : memref<20x500x500xf32, #tpu.memory_space<vmem>>, vector<1x500x500xf32>
      %squeeze3A = vector.shape_cast %get3A_320 : vector<1x500x500xf32> to vector<500x500xf32>
      %get3A_321 = arith.index_cast %scan3A_316 : i32 to index
      %get3A_322 = arith.constant 0 : index
      %get3A_323 = arith.constant 0 : index
      %get3A_324 = vector.load %arg3[%get3A_321, %get3A_322, %get3A_323] : memref<20x500x35xf32, #tpu.memory_space<vmem>>, vector<1x500x35xf32>
      %squeeze3A_325 = vector.shape_cast %get3A_324 : vector<1x500x35xf32> to vector<500x35xf32>
      %get3A_326 = arith.index_cast %scan3A_316 : i32 to index
      %get3A_327 = arith.constant 0 : index
      %get3A_328 = arith.constant 0 : index
      %get3A_329 = vector.load %arg43[%get3A_326, %get3A_327, %get3A_328] : memref<20x500x35xf32, #tpu.memory_space<vmem>>, vector<1x500x35xf32>
      %squeeze3A_330 = vector.shape_cast %get3A_329 : vector<1x500x35xf32> to vector<500x35xf32>
      %dot_general3A_331 = arith.constant dense<0.000000e+00> : vector<500x35xf32>
      %dot_general3A_332 = tpu.matmul %squeeze3A, %squeeze3A_330, %dot_general3A_331 {dimension_numbers = #tpu.dot_dimension_numbers<[0], [0], [1], [1], [0, 1, 1, 1], [], []>, precision = #tpu.contract_precision<fp32>, transpose_lhs_hint = false} : vector<500x500xf32>, vector<500x35xf32>, vector<500x35xf32> -> vector<500x35xf32>
      %mul3A_333 = vector.broadcast %get3A_123 : vector<1x35xf32> to vector<500x35xf32>
      %mul3A_334 = arith.mulf %mul3A_333, %dot_general3A_332 : vector<500x35xf32>
      %add3A_335 = arith.addf %mul3A_334, %squeeze3A_325 : vector<500x35xf32>
      %exp3A = math.exp %add3A_335 : vector<500x35xf32>
      %dot_general3A_336 = arith.constant dense<0.000000e+00> : vector<500x35xf32>
      %dot_general3A_337 = tpu.matmul %exp3A, %get3A_126, %dot_general3A_336 {dimension_numbers = #tpu.dot_dimension_numbers<[1], [0], [0], [1], [0, 0, 1, 1], [], []>, precision = #tpu.contract_precision<fp32>, transpose_lhs_hint = false} : vector<500x35xf32>, vector<35x35xf32>, vector<500x35xf32> -> vector<500x35xf32>
      %div3A_338 = arith.divf %exp3A, %dot_general3A_337 : vector<500x35xf32>
      %broadcast_in_dim3A_339 = vector.shape_cast %div3A_338 : vector<500x35xf32> to vector<1x500x35xf32>
      %swap3A_340 = arith.index_cast %scan3A_316 : i32 to index
      %swap3A_341 = arith.constant 0 : index
      %swap3A_342 = arith.constant 0 : index
      %swap3A_343 = vector.load %arg43[%swap3A_340, %swap3A_341, %swap3A_342] : memref<20x500x35xf32, #tpu.memory_space<vmem>>, vector<1x500x35xf32>
      tpu.vector_store %arg43[%swap3A_340, %swap3A_341, %swap3A_342], %broadcast_in_dim3A_339 {strides = array<i32>} : memref<20x500x35xf32, #tpu.memory_space<vmem>>, vector<1x500x35xf32>,
    }
    %scan3A_131 = arith.constant 20 : i32
    %scan3A_132 = arith.constant 0 : i32
    %scan3A_133 = arith.constant 20 : i32
    %scan3A_134 = arith.addi %scan3A_132, %scan3A_133 : i32
    %scan3A_135 = arith.constant 1 : i32
    scf.for %scan3A_316 = %scan3A_132 to %scan3A_134 step %scan3A_135  : i32 {
      %get3A_317 = arith.index_cast %scan3A_316 : i32 to index
      %get3A_318 = arith.constant 0 : index
      %get3A_319 = arith.constant 0 : index
      %get3A_320 = vector.load %arg0[%get3A_317, %get3A_318, %get3A_319] : memref<20x500x500xf32, #tpu.memory_space<vmem>>, vector<1x500x500xf32>
      %squeeze3A = vector.shape_cast %get3A_320 : vector<1x500x500xf32> to vector<500x500xf32>
      %get3A_321 = arith.index_cast %scan3A_316 : i32 to index
      %get3A_322 = arith.constant 0 : index
      %get3A_323 = arith.constant 0 : index
      %get3A_324 = vector.load %arg3[%get3A_321, %get3A_322, %get3A_323] : memref<20x500x35xf32, #tpu.memory_space<vmem>>, vector<1x500x35xf32>
      %squeeze3A_325 = vector.shape_cast %get3A_324 : vector<1x500x35xf32> to vector<500x35xf32>
      %get3A_326 = arith.index_cast %scan3A_316 : i32 to index
      %get3A_327 = arith.constant 0 : index
      %get3A_328 = arith.constant 0 : index
      %get3A_329 = vector.load %arg43[%get3A_326, %get3A_327, %get3A_328] : memref<20x500x35xf32, #tpu.memory_space<vmem>>, vector<1x500x35xf32>
      %squeeze3A_330 = vector.shape_cast %get3A_329 : vector<1x500x35xf32> to vector<500x35xf32>
      %dot_general3A_331 = arith.constant dense<0.000000e+00> : vector<500x35xf32>
      %dot_general3A_332 = tpu.matmul %squeeze3A, %squeeze3A_330, %dot_general3A_331 {dimension_numbers = #tpu.dot_dimension_numbers<[0], [0], [1], [1], [0, 1, 1, 1], [], []>, precision = #tpu.contract_precision<fp32>, transpose_lhs_hint = false} : vector<500x500xf32>, vector<500x35xf32>, vector<500x35xf32> -> vector<500x35xf32>
      %mul3A_333 = vector.broadcast %get3A_123 : vector<1x35xf32> to vector<500x35xf32>
      %mul3A_334 = arith.mulf %mul3A_333, %dot_general3A_332 : vector<500x35xf32>
      %add3A_335 = arith.addf %mul3A_334, %squeeze3A_325 : vector<500x35xf32>
      %exp3A = math.exp %add3A_335 : vector<500x35xf32>
      %dot_general3A_336 = arith.constant dense<0.000000e+00> : vector<500x35xf32>
      %dot_general3A_337 = tpu.matmul %exp3A, %get3A_126, %dot_general3A_336 {dimension_numbers = #tpu.dot_dimension_numbers<[1], [0], [0], [1], [0, 0, 1, 1], [], []>, precision = #tpu.contract_precision<fp32>, transpose_lhs_hint = false} : vector<500x35xf32>, vector<35x35xf32>, vector<500x35xf32> -> vector<500x35xf32>
      %div3A_338 = arith.divf %exp3A, %dot_general3A_337 : vector<500x35xf32>
      %broadcast_in_dim3A_339 = vector.shape_cast %div3A_338 : vector<500x35xf32> to vector<1x500x35xf32>
      %swap3A_340 = arith.index_cast %scan3A_316 : i32 to index
      %swap3A_341 = arith.constant 0 : index
      %swap3A_342 = arith.constant 0 : index
      %swap3A_343 = vector.load %arg43[%swap3A_340, %swap3A_341, %swap3A_342] : memref<20x500x35xf32, #tpu.memory_space<vmem>>, vector<1x500x35xf32>
      tpu.vector_store %arg43[%swap3A_340, %swap3A_341, %swap3A_342], %broadcast_in_dim3A_339 {strides = array<i32>} : memref<20x500x35xf32, #tpu.memory_space<vmem>>, vector<1x500x35xf32>,
    }
    %scan3A_136 = arith.constant 20 : i32
    %scan3A_137 = arith.constant 0 : i32
    %scan3A_138 = arith.constant 20 : i32
    %scan3A_139 = arith.addi %scan3A_137, %scan3A_138 : i32
    %scan3A_140 = arith.constant 1 : i32
    scf.for %scan3A_316 = %scan3A_137 to %scan3A_139 step %scan3A_140  : i32 {
      %get3A_317 = arith.index_cast %scan3A_316 : i32 to index
      %get3A_318 = arith.constant 0 : index
      %get3A_319 = arith.constant 0 : index
      %get3A_320 = vector.load %arg0[%get3A_317, %get3A_318, %get3A_319] : memref<20x500x500xf32, #tpu.memory_space<vmem>>, vector<1x500x500xf32>
      %squeeze3A = vector.shape_cast %get3A_320 : vector<1x500x500xf32> to vector<500x500xf32>
      %get3A_321 = arith.index_cast %scan3A_316 : i32 to index
      %get3A_322 = arith.constant 0 : index
      %get3A_323 = arith.constant 0 : index
      %get3A_324 = vector.load %arg3[%get3A_321, %get3A_322, %get3A_323] : memref<20x500x35xf32, #tpu.memory_space<vmem>>, vector<1x500x35xf32>
      %squeeze3A_325 = vector.shape_cast %get3A_324 : vector<1x500x35xf32> to vector<500x35xf32>
      %get3A_326 = arith.index_cast %scan3A_316 : i32 to index
      %get3A_327 = arith.constant 0 : index
      %get3A_328 = arith.constant 0 : index
      %get3A_329 = vector.load %arg43[%get3A_326, %get3A_327, %get3A_328] : memref<20x500x35xf32, #tpu.memory_space<vmem>>, vector<1x500x35xf32>
      %squeeze3A_330 = vector.shape_cast %get3A_329 : vector<1x500x35xf32> to vector<500x35xf32>
      %dot_general3A_331 = arith.constant dense<0.000000e+00> : vector<500x35xf32>
      %dot_general3A_332 = tpu.matmul %squeeze3A, %squeeze3A_330, %dot_general3A_331 {dimension_numbers = #tpu.dot_dimension_numbers<[0], [0], [1], [1], [0, 1, 1, 1], [], []>, precision = #tpu.contract_precision<fp32>, transpose_lhs_hint = false} : vector<500x500xf32>, vector<500x35xf32>, vector<500x35xf32> -> vector<500x35xf32>
      %mul3A_333 = vector.broadcast %get3A_123 : vector<1x35xf32> to vector<500x35xf32>
      %mul3A_334 = arith.mulf %mul3A_333, %dot_general3A_332 : vector<500x35xf32>
      %add3A_335 = arith.addf %mul3A_334, %squeeze3A_325 : vector<500x35xf32>
      %exp3A = math.exp %add3A_335 : vector<500x35xf32>
      %dot_general3A_336 = arith.constant dense<0.000000e+00> : vector<500x35xf32>
      %dot_general3A_337 = tpu.matmul %exp3A, %get3A_126, %dot_general3A_336 {dimension_numbers = #tpu.dot_dimension_numbers<[1], [0], [0], [1], [0, 0, 1, 1], [], []>, precision = #tpu.contract_precision<fp32>, transpose_lhs_hint = false} : vector<500x35xf32>, vector<35x35xf32>, vector<500x35xf32> -> vector<500x35xf32>
      %div3A_338 = arith.divf %exp3A, %dot_general3A_337 : vector<500x35xf32>
      %broadcast_in_dim3A_339 = vector.shape_cast %div3A_338 : vector<500x35xf32> to vector<1x500x35xf32>
      %swap3A_340 = arith.index_cast %scan3A_316 : i32 to index
      %swap3A_341 = arith.constant 0 : index
      %swap3A_342 = arith.constant 0 : index
      %swap3A_343 = vector.load %arg43[%swap3A_340, %swap3A_341, %swap3A_342] : memref<20x500x35xf32, #tpu.memory_space<vmem>>, vector<1x500x35xf32>
      tpu.vector_store %arg43[%swap3A_340, %swap3A_341, %swap3A_342], %broadcast_in_dim3A_339 {strides = array<i32>} : memref<20x500x35xf32, #tpu.memory_space<vmem>>, vector<1x500x35xf32>,
    }
    %scan3A_141 = arith.constant 20 : i32
    %scan3A_142 = arith.constant 0 : i32
    %scan3A_143 = arith.constant 20 : i32
    %scan3A_144 = arith.addi %scan3A_142, %scan3A_143 : i32
    %scan3A_145 = arith.constant 1 : i32
    scf.for %scan3A_316 = %scan3A_142 to %scan3A_144 step %scan3A_145  : i32 {
      %get3A_317 = arith.index_cast %scan3A_316 : i32 to index
      %get3A_318 = arith.constant 0 : index
      %get3A_319 = arith.constant 0 : index
      %get3A_320 = vector.load %arg0[%get3A_317, %get3A_318, %get3A_319] : memref<20x500x500xf32, #tpu.memory_space<vmem>>, vector<1x500x500xf32>
      %squeeze3A = vector.shape_cast %get3A_320 : vector<1x500x500xf32> to vector<500x500xf32>
      %get3A_321 = arith.index_cast %scan3A_316 : i32 to index
      %get3A_322 = arith.constant 0 : index
      %get3A_323 = arith.constant 0 : index
      %get3A_324 = vector.load %arg3[%get3A_321, %get3A_322, %get3A_323] : memref<20x500x35xf32, #tpu.memory_space<vmem>>, vector<1x500x35xf32>
      %squeeze3A_325 = vector.shape_cast %get3A_324 : vector<1x500x35xf32> to vector<500x35xf32>
      %get3A_326 = arith.index_cast %scan3A_316 : i32 to index
      %get3A_327 = arith.constant 0 : index
      %get3A_328 = arith.constant 0 : index
      %get3A_329 = vector.load %arg43[%get3A_326, %get3A_327, %get3A_328] : memref<20x500x35xf32, #tpu.memory_space<vmem>>, vector<1x500x35xf32>
      %squeeze3A_330 = vector.shape_cast %get3A_329 : vector<1x500x35xf32> to vector<500x35xf32>
      %dot_general3A_331 = arith.constant dense<0.000000e+00> : vector<500x35xf32>
      %dot_general3A_332 = tpu.matmul %squeeze3A, %squeeze3A_330, %dot_general3A_331 {dimension_numbers = #tpu.dot_dimension_numbers<[0], [0], [1], [1], [0, 1, 1, 1], [], []>, precision = #tpu.contract_precision<fp32>, transpose_lhs_hint = false} : vector<500x500xf32>, vector<500x35xf32>, vector<500x35xf32> -> vector<500x35xf32>
      %mul3A_333 = vector.broadcast %get3A_123 : vector<1x35xf32> to vector<500x35xf32>
      %mul3A_334 = arith.mulf %mul3A_333, %dot_general3A_332 : vector<500x35xf32>
      %add3A_335 = arith.addf %mul3A_334, %squeeze3A_325 : vector<500x35xf32>
      %exp3A = math.exp %add3A_335 : vector<500x35xf32>
      %dot_general3A_336 = arith.constant dense<0.000000e+00> : vector<500x35xf32>
      %dot_general3A_337 = tpu.matmul %exp3A, %get3A_126, %dot_general3A_336 {dimension_numbers = #tpu.dot_dimension_numbers<[1], [0], [0], [1], [0, 0, 1, 1], [], []>, precision = #tpu.contract_precision<fp32>, transpose_lhs_hint = false} : vector<500x35xf32>, vector<35x35xf32>, vector<500x35xf32> -> vector<500x35xf32>
      %div3A_338 = arith.divf %exp3A, %dot_general3A_337 : vector<500x35xf32>
      %broadcast_in_dim3A_339 = vector.shape_cast %div3A_338 : vector<500x35xf32> to vector<1x500x35xf32>
      %swap3A_340 = arith.index_cast %scan3A_316 : i32 to index
      %swap3A_341 = arith.constant 0 : index
      %swap3A_342 = arith.constant 0 : index
      %swap3A_343 = vector.load %arg43[%swap3A_340, %swap3A_341, %swap3A_342] : memref<20x500x35xf32, #tpu.memory_space<vmem>>, vector<1x500x35xf32>
      tpu.vector_store %arg43[%swap3A_340, %swap3A_341, %swap3A_342], %broadcast_in_dim3A_339 {strides = array<i32>} : memref<20x500x35xf32, #tpu.memory_space<vmem>>, vector<1x500x35xf32>,
    }
    %scan3A_146 = arith.constant 20 : i32
    %scan3A_147 = arith.constant 0 : i32
    %scan3A_148 = arith.constant 20 : i32
    %scan3A_149 = arith.addi %scan3A_147, %scan3A_148 : i32
    %scan3A_150 = arith.constant 1 : i32
    scf.for %scan3A_316 = %scan3A_147 to %scan3A_149 step %scan3A_150  : i32 {
      %get3A_317 = arith.index_cast %scan3A_316 : i32 to index
      %get3A_318 = arith.constant 0 : index
      %get3A_319 = arith.constant 0 : index
      %get3A_320 = vector.load %arg0[%get3A_317, %get3A_318, %get3A_319] : memref<20x500x500xf32, #tpu.memory_space<vmem>>, vector<1x500x500xf32>
      %squeeze3A = vector.shape_cast %get3A_320 : vector<1x500x500xf32> to vector<500x500xf32>
      %get3A_321 = arith.index_cast %scan3A_316 : i32 to index
      %get3A_322 = arith.constant 0 : index
      %get3A_323 = arith.constant 0 : index
      %get3A_324 = vector.load %arg3[%get3A_321, %get3A_322, %get3A_323] : memref<20x500x35xf32, #tpu.memory_space<vmem>>, vector<1x500x35xf32>
      %squeeze3A_325 = vector.shape_cast %get3A_324 : vector<1x500x35xf32> to vector<500x35xf32>
      %get3A_326 = arith.index_cast %scan3A_316 : i32 to index
      %get3A_327 = arith.constant 0 : index
      %get3A_328 = arith.constant 0 : index
      %get3A_329 = vector.load %arg43[%get3A_326, %get3A_327, %get3A_328] : memref<20x500x35xf32, #tpu.memory_space<vmem>>, vector<1x500x35xf32>
      %squeeze3A_330 = vector.shape_cast %get3A_329 : vector<1x500x35xf32> to vector<500x35xf32>
      %dot_general3A_331 = arith.constant dense<0.000000e+00> : vector<500x35xf32>
      %dot_general3A_332 = tpu.matmul %squeeze3A, %squeeze3A_330, %dot_general3A_331 {dimension_numbers = #tpu.dot_dimension_numbers<[0], [0], [1], [1], [0, 1, 1, 1], [], []>, precision = #tpu.contract_precision<fp32>, transpose_lhs_hint = false} : vector<500x500xf32>, vector<500x35xf32>, vector<500x35xf32> -> vector<500x35xf32>
      %mul3A_333 = vector.broadcast %get3A_123 : vector<1x35xf32> to vector<500x35xf32>
      %mul3A_334 = arith.mulf %mul3A_333, %dot_general3A_332 : vector<500x35xf32>
      %add3A_335 = arith.addf %mul3A_334, %squeeze3A_325 : vector<500x35xf32>
      %exp3A = math.exp %add3A_335 : vector<500x35xf32>
      %dot_general3A_336 = arith.constant dense<0.000000e+00> : vector<500x35xf32>
      %dot_general3A_337 = tpu.matmul %exp3A, %get3A_126, %dot_general3A_336 {dimension_numbers = #tpu.dot_dimension_numbers<[1], [0], [0], [1], [0, 0, 1, 1], [], []>, precision = #tpu.contract_precision<fp32>, transpose_lhs_hint = false} : vector<500x35xf32>, vector<35x35xf32>, vector<500x35xf32> -> vector<500x35xf32>
      %div3A_338 = arith.divf %exp3A, %dot_general3A_337 : vector<500x35xf32>
      %broadcast_in_dim3A_339 = vector.shape_cast %div3A_338 : vector<500x35xf32> to vector<1x500x35xf32>
      %swap3A_340 = arith.index_cast %scan3A_316 : i32 to index
      %swap3A_341 = arith.constant 0 : index
      %swap3A_342 = arith.constant 0 : index
      %swap3A_343 = vector.load %arg43[%swap3A_340, %swap3A_341, %swap3A_342] : memref<20x500x35xf32, #tpu.memory_space<vmem>>, vector<1x500x35xf32>
      tpu.vector_store %arg43[%swap3A_340, %swap3A_341, %swap3A_342], %broadcast_in_dim3A_339 {strides = array<i32>} : memref<20x500x35xf32, #tpu.memory_space<vmem>>, vector<1x500x35xf32>,
    }
    %scan3A_151 = arith.constant 20 : i32
    %get3A_152 = arith.constant 0 : index
    %get3A_153 = arith.constant 0 : index
    %get3A_154 = vector.load %arg24[%get3A_152, %get3A_153] : memref<35x100xf32, #tpu.memory_space<vmem>>, vector<35x100xf32>
    %get3A_155 = arith.constant 0 : index
    %get3A_156 = vector.load %arg25[%get3A_155] : memref<100xf32, #tpu.memory_space<vmem>>, vector<100xf32>
    %iota3A = tpu.iota {dimensions = array<i32: 0>} : vector<100x100xi32>
    %iota3A_157 = tpu.iota {dimensions = array<i32: 1>} : vector<100x100xi32>
    %eq3A = arith.cmpi eq, %iota3A, %iota3A_157 : vector<100x100xi32>
    %convert_element_type3A = arith.extui %eq3A : vector<100x100xi1> to vector<100x100xi32>
    %convert_element_type3A_158 = arith.sitofp %convert_element_type3A : vector<100x100xi32> to vector<100x100xf32>
    %scan3A_159 = arith.constant 0.000000e+00 : f32
    %scan3A_160 = arith.constant 0.000000e+00 : f32
    %scan3A_161 = arith.constant 0 : i32
    %scan3A_162 = arith.constant 20 : i32
    %scan3A_163 = arith.addi %scan3A_161, %scan3A_162 : i32
    %scan3A_164 = arith.constant 1 : i32
    %scan3A_165:2 = scf.for %scan3A_316 = %scan3A_161 to %scan3A_163 step %scan3A_164 iter_args(%scan3A_317 = %scan3A_159, %scan3A_318 = %scan3A_160) -> (f32, f32)  : i32 {
      %get3A_319 = arith.index_cast %scan3A_316 : i32 to index
      %get3A_320 = arith.constant 0 : index
      %get3A_321 = arith.constant 0 : index
      %get3A_322 = vector.load %arg0[%get3A_319, %get3A_320, %get3A_321] : memref<20x500x500xf32, #tpu.memory_space<vmem>>, vector<1x500x500xf32>
      %squeeze3A = vector.shape_cast %get3A_322 : vector<1x500x500xf32> to vector<500x500xf32>
      %get3A_323 = arith.index_cast %scan3A_316 : i32 to index
      %get3A_324 = arith.constant 0 : index
      %get3A_325 = arith.constant 0 : index
      %get3A_326 = vector.load %arg43[%get3A_323, %get3A_324, %get3A_325] : memref<20x500x35xf32, #tpu.memory_space<vmem>>, vector<1x500x35xf32>
      %squeeze3A_327 = vector.shape_cast %get3A_326 : vector<1x500x35xf32> to vector<500x35xf32>
      %dot_general3A_328 = arith.constant dense<0.000000e+00> : vector<500x100xf32>
      %dot_general3A_329 = tpu.matmul %squeeze3A_327, %get3A_154, %dot_general3A_328 {dimension_numbers = #tpu.dot_dimension_numbers<[1], [0], [0], [1], [0, 0, 1, 1], [], []>, precision = #tpu.contract_precision<fp32>, transpose_lhs_hint = false} : vector<500x35xf32>, vector<35x100xf32>, vector<500x100xf32> -> vector<500x100xf32>
      %broadcast_in_dim3A_330 = vector.shape_cast %get3A_156 : vector<100xf32> to vector<1x100xf32>
      %add3A_331 = vector.broadcast %broadcast_in_dim3A_330 : vector<1x100xf32> to vector<500x100xf32>
      %add3A_332 = arith.addf %dot_general3A_329, %add3A_331 : vector<500x100xf32>
      %dot_general3A_333 = arith.constant dense<0.000000e+00> : vector<500x100xf32>
      %dot_general3A_334 = tpu.matmul %squeeze3A, %add3A_332, %dot_general3A_333 {dimension_numbers = #tpu.dot_dimension_numbers<[1], [0], [0], [1], [0, 0, 1, 1], [], []>, precision = #tpu.contract_precision<fp32>, transpose_lhs_hint = false} : vector<500x500xf32>, vector<500x100xf32>, vector<500x100xf32> -> vector<500x100xf32>
      %mul3A_335 = arith.mulf %dot_general3A_334, %add3A_332 : vector<500x100xf32>
      %reduce_sum3A = vector.shape_cast %mul3A_335 : vector<500x100xf32> to vector<1x500x100xf32>
      %reduce_sum3A_336 = arith.constant dense<0.000000e+00> : vector<1xf32>
      %reduce_sum3A_337 = vector.multi_reduction <add>, %reduce_sum3A, %reduce_sum3A_336 [1, 2] : vector<1x500x100xf32> to vector<1xf32>
      %reduce_sum3A_338 = vector.shape_cast %reduce_sum3A_337 : vector<1xf32> to vector<1x1x1xf32>
      %reduce_sum3A_339 = vector.extract %reduce_sum3A_338[0, 0, 0] : f32 from vector<1x1x1xf32>
      %add3A_340 = arith.addf %scan3A_317, %reduce_sum3A_339 : f32
      %reduce_max3A = arith.constant dense<0xFF800000> : vector<500xf32>
      %reduce_max3A_341 = vector.multi_reduction <maximumf>, %add3A_332, %reduce_max3A [1] : vector<500x100xf32> to vector<500xf32>
      %broadcast_in_dim3A_342 = vector.shape_cast %reduce_max3A_341 : vector<500xf32> to vector<500x1xf32>
      %sub3A_343 = vector.broadcast %broadcast_in_dim3A_342 : vector<500x1xf32> to vector<500x100xf32>
      %sub3A_344 = arith.subf %add3A_332, %sub3A_343 : vector<500x100xf32>
      %exp3A = math.exp %sub3A_344 : vector<500x100xf32>
      %reduce_sum3A_345 = arith.constant dense<0.000000e+00> : vector<500xf32>
      %reduce_sum3A_346 = vector.multi_reduction <add>, %exp3A, %reduce_sum3A_345 [1] : vector<500x100xf32> to vector<500xf32>
      %broadcast_in_dim3A_347 = vector.shape_cast %reduce_sum3A_346 : vector<500xf32> to vector<500x1xf32>
      %div3A_348 = vector.broadcast %broadcast_in_dim3A_347 : vector<500x1xf32> to vector<500x100xf32>
      %div3A_349 = arith.divf %exp3A, %div3A_348 : vector<500x100xf32>
      %neg3A_350 = arith.constant 0.000000e+00 : f32
      %neg3A_351 = vector.broadcast %neg3A_350 : f32 to vector<500x100xf32>
      %neg3A_352 = arith.subf %neg3A_351, %div3A_349 : vector<500x100xf32>
      %add3A_353 = arith.constant 1.000000e-15 : f32
      %add3A_354 = vector.broadcast %add3A_353 : f32 to vector<500x100xf32>
      %add3A_355 = arith.addf %div3A_349, %add3A_354 : vector<500x100xf32>
      %log3A = math.log %add3A_355 : vector<500x100xf32>
      %mul3A_356 = arith.mulf %neg3A_352, %log3A : vector<500x100xf32>
      %reduce_sum3A_357 = vector.shape_cast %mul3A_356 : vector<500x100xf32> to vector<1x500x100xf32>
      %reduce_sum3A_358 = arith.constant dense<0.000000e+00> : vector<1xf32>
      %reduce_sum3A_359 = vector.multi_reduction <add>, %reduce_sum3A_357, %reduce_sum3A_358 [1, 2] : vector<1x500x100xf32> to vector<1xf32>
      %reduce_sum3A_360 = vector.shape_cast %reduce_sum3A_359 : vector<1xf32> to vector<1x1x1xf32>
      %reduce_sum3A_361 = vector.extract %reduce_sum3A_360[0, 0, 0] : f32 from vector<1x1x1xf32>
      %add3A_362 = arith.addf %scan3A_318, %reduce_sum3A_361 : f32
      %get3A_363 = arith.index_cast %scan3A_316 : i32 to index
      %get3A_364 = arith.constant 0 : index
      %get3A_365 = arith.constant 0 : index
      %get3A_366 = vector.load %arg42[%get3A_363, %get3A_364, %get3A_365] : memref<20x500x30xf32, #tpu.memory_space<vmem>>, vector<1x500x30xf32>
      %squeeze3A_367 = vector.shape_cast %get3A_366 : vector<1x500x30xf32> to vector<500x30xf32>
      %dot_general3A_368 = arith.constant dense<0.000000e+00> : vector<100x30xf32>
      %dot_general3A_369 = tpu.matmul %div3A_349, %squeeze3A_367, %dot_general3A_368 {dimension_numbers = #tpu.dot_dimension_numbers<[0], [0], [1], [1], [0, 1, 1, 1], [], []>, precision = #tpu.contract_precision<fp32>, transpose_lhs_hint = false} : vector<500x100xf32>, vector<500x30xf32>, vector<100x30xf32> -> vector<100x30xf32>
      %broadcast_in_dim3A_370 = vector.shape_cast %dot_general3A_369 : vector<100x30xf32> to vector<1x100x30xf32>
      %swap3A_371 = arith.index_cast %scan3A_316 : i32 to index
      %swap3A_372 = arith.constant 0 : index
      %swap3A_373 = arith.constant 0 : index
      %swap3A_374 = vector.load %arg44[%swap3A_371, %swap3A_372, %swap3A_373] : memref<20x100x30xf32, #tpu.memory_space<vmem>>, vector<1x100x30xf32>
      tpu.vector_store %arg44[%swap3A_371, %swap3A_372, %swap3A_373], %broadcast_in_dim3A_370 {strides = array<i32>} : memref<20x100x30xf32, #tpu.memory_space<vmem>>, vector<1x100x30xf32>,
      %dot_general3A_375 = arith.constant dense<0.000000e+00> : vector<500x100xf32>
      %dot_general3A_376 = tpu.matmul %squeeze3A, %div3A_349, %dot_general3A_375 {dimension_numbers = #tpu.dot_dimension_numbers<[1], [0], [0], [1], [0, 0, 1, 1], [], []>, precision = #tpu.contract_precision<fp32>, transpose_lhs_hint = false} : vector<500x500xf32>, vector<500x100xf32>, vector<500x100xf32> -> vector<500x100xf32>
      %dot_general3A_377 = arith.constant dense<0.000000e+00> : vector<100x100xf32>
      %dot_general3A_378 = tpu.matmul %div3A_349, %dot_general3A_376, %dot_general3A_377 {dimension_numbers = #tpu.dot_dimension_numbers<[0], [0], [1], [1], [0, 1, 1, 1], [], []>, precision = #tpu.contract_precision<fp32>, transpose_lhs_hint = false} : vector<500x100xf32>, vector<500x100xf32>, vector<100x100xf32> -> vector<100x100xf32>
      %broadcast_in_dim3A_379 = vector.shape_cast %dot_general3A_378 : vector<100x100xf32> to vector<1x100x100xf32>
      %swap3A_380 = arith.index_cast %scan3A_316 : i32 to index
      %swap3A_381 = arith.constant 0 : index
      %swap3A_382 = arith.constant 0 : index
      %swap3A_383 = vector.load %arg45[%swap3A_380, %swap3A_381, %swap3A_382] : memref<20x100x100xf32, #tpu.memory_space<vmem>>, vector<1x100x100xf32>
      tpu.vector_store %arg45[%swap3A_380, %swap3A_381, %swap3A_382], %broadcast_in_dim3A_379 {strides = array<i32>} : memref<20x100x100xf32, #tpu.memory_space<vmem>>, vector<1x100x100xf32>,
      scf.yield %add3A_340, %add3A_362 : f32, f32
    }
    %scan3A_166 = arith.constant 20 : i32
    %neg3A = arith.constant 0.000000e+00 : f32
    %neg3A_167 = arith.subf %neg3A, %scan3A_165#0 : f32
    %div3A_168 = arith.constant 1.600000e+05 : f32
    %div3A_169 = arith.divf %neg3A_167, %div3A_168 : f32
    %div3A_170 = arith.constant 1.000000e+04 : f32
    %div3A_171 = arith.divf %scan3A_165#1, %div3A_170 : f32
    %broadcast_in_dim3A_172 = arith.constant 1.000000e+00 : f32
    %broadcast_in_dim3A_173 = vector.broadcast %broadcast_in_dim3A_172 : f32 to vector<100x1xf32>
    %scan3A_174 = arith.constant 0 : i32
    %scan3A_175 = arith.constant 20 : i32
    %scan3A_176 = arith.addi %scan3A_174, %scan3A_175 : i32
    %scan3A_177 = arith.constant 1 : i32
    %scan3A_178 = scf.for %scan3A_316 = %scan3A_174 to %scan3A_176 step %scan3A_177 iter_args(%scan3A_317 = %broadcast_in_dim3A_10) -> (vector<1x30xf32>)  : i32 {
      %get3A_318 = arith.index_cast %scan3A_316 : i32 to index
      %get3A_319 = arith.constant 0 : index
      %get3A_320 = arith.constant 0 : index
      %get3A_321 = vector.load %arg44[%get3A_318, %get3A_319, %get3A_320] : memref<20x100x30xf32, #tpu.memory_space<vmem>>, vector<1x100x30xf32>
      %squeeze3A = vector.shape_cast %get3A_321 : vector<1x100x30xf32> to vector<100x30xf32>
      %get3A_322 = arith.constant 0 : index
      %get3A_323 = arith.constant 0 : index
      %get3A_324 = vector.load %arg26[%get3A_322, %get3A_323] : memref<30x30xf32, #tpu.memory_space<vmem>>, vector<30x30xf32>
      %dot_general3A_325 = arith.constant dense<0.000000e+00> : vector<100x30xf32>
      %dot_general3A_326 = tpu.matmul %squeeze3A, %get3A_324, %dot_general3A_325 {dimension_numbers = #tpu.dot_dimension_numbers<[1], [0], [0], [1], [0, 0, 1, 1], [], []>, precision = #tpu.contract_precision<fp32>, transpose_lhs_hint = false} : vector<100x30xf32>, vector<30x30xf32>, vector<100x30xf32> -> vector<100x30xf32>
      %get3A_327 = arith.index_cast %scan3A_316 : i32 to index
      %get3A_328 = arith.constant 0 : index
      %get3A_329 = arith.constant 0 : index
      %get3A_330 = vector.load %arg45[%get3A_327, %get3A_328, %get3A_329] : memref<20x100x100xf32, #tpu.memory_space<vmem>>, vector<1x100x100xf32>
      %squeeze3A_331 = vector.shape_cast %get3A_330 : vector<1x100x100xf32> to vector<100x100xf32>
      %add3A_332 = arith.addf %squeeze3A_331, %convert_element_type3A_158 : vector<100x100xf32>
      %dot_general3A_333 = arith.constant dense<0.000000e+00> : vector<100x1xf32>
      %dot_general3A_334 = tpu.matmul %add3A_332, %broadcast_in_dim3A_173, %dot_general3A_333 {dimension_numbers = #tpu.dot_dimension_numbers<[1], [0], [0], [1], [0, 0, 1, 1], [], []>, precision = #tpu.contract_precision<fp32>, transpose_lhs_hint = false} : vector<100x100xf32>, vector<100x1xf32>, vector<100x1xf32> -> vector<100x1xf32>
      %add3A_335 = arith.constant 9.99999971E-10 : f32
      %add3A_336 = vector.broadcast %add3A_335 : f32 to vector<100x1xf32>
      %add3A_337 = arith.addf %dot_general3A_334, %add3A_336 : vector<100x1xf32>
      %rsqrt3A_338 = math.rsqrt %add3A_337 : vector<100x1xf32>
      %mul3A_339 = vector.broadcast %rsqrt3A_338 : vector<100x1xf32> to vector<100x30xf32>
      %mul3A_340 = arith.mulf %mul3A_339, %dot_general3A_326 : vector<100x30xf32>
      %dot_general3A_341 = arith.constant dense<0.000000e+00> : vector<100x30xf32>
      %dot_general3A_342 = tpu.matmul %add3A_332, %mul3A_340, %dot_general3A_341 {dimension_numbers = #tpu.dot_dimension_numbers<[1], [0], [0], [1], [0, 0, 1, 1], [], []>, precision = #tpu.contract_precision<fp32>, transpose_lhs_hint = false} : vector<100x100xf32>, vector<100x30xf32>, vector<100x30xf32> -> vector<100x30xf32>
      %mul3A_343 = vector.broadcast %rsqrt3A_338 : vector<100x1xf32> to vector<100x30xf32>
      %mul3A_344 = arith.mulf %mul3A_343, %dot_general3A_342 : vector<100x30xf32>
      %get3A_345 = arith.constant 0 : index
      %get3A_346 = vector.load %arg27[%get3A_345] : memref<30xf32, #tpu.memory_space<vmem>>, vector<30xf32>
      %broadcast_in_dim3A_347 = vector.shape_cast %get3A_346 : vector<30xf32> to vector<1x30xf32>
      %add3A_348 = vector.broadcast %broadcast_in_dim3A_347 : vector<1x30xf32> to vector<100x30xf32>
      %add3A_349 = arith.addf %mul3A_344, %add3A_348 : vector<100x30xf32>
      %broadcast_in_dim3A_350 = vector.shape_cast %add3A_349 : vector<100x30xf32> to vector<1x100x30xf32>
      %swap3A_351 = arith.index_cast %scan3A_316 : i32 to index
      %swap3A_352 = arith.constant 0 : index
      %swap3A_353 = arith.constant 0 : index
      %swap3A_354 = vector.load %arg46[%swap3A_351, %swap3A_352, %swap3A_353] : memref<20x100x30xf32, #tpu.memory_space<vmem>>, vector<1x100x30xf32>
      tpu.vector_store %arg46[%swap3A_351, %swap3A_352, %swap3A_353], %broadcast_in_dim3A_350 {strides = array<i32>} : memref<20x100x30xf32, #tpu.memory_space<vmem>>, vector<1x100x30xf32>,
      %reduce_sum3A = arith.constant dense<0.000000e+00> : vector<30xf32>
      %reduce_sum3A_355 = vector.multi_reduction <add>, %add3A_349, %reduce_sum3A [0] : vector<100x30xf32> to vector<30xf32>
      %broadcast_in_dim3A_356 = vector.shape_cast %reduce_sum3A_355 : vector<30xf32> to vector<1x30xf32>
      %add3A_357 = arith.addf %scan3A_317, %broadcast_in_dim3A_356 : vector<1x30xf32>
      scf.yield %add3A_357 : vector<1x30xf32>
    }
    %scan3A_179 = arith.constant 20 : i32
    %get3A_180 = arith.constant 0 : index
    %get3A_181 = vector.load %arg18[%get3A_180] : memref<30xf32, #tpu.memory_space<vmem>>, vector<30xf32>
    %get3A_182 = arith.constant 0 : index
    %get3A_183 = vector.load %arg19[%get3A_182] : memref<30xf32, #tpu.memory_space<vmem>>, vector<30xf32>
    %get3A_184 = arith.constant 0 : index
    %get3A_185 = arith.constant 0 : index
    %get3A_186 = vector.load %arg28[%get3A_184, %get3A_185] : memref<30x30xf32, #tpu.memory_space<vmem>>, vector<30x30xf32>
    %get3A_187 = arith.constant 0 : index
    %get3A_188 = vector.load %arg29[%get3A_187] : memref<30xf32, #tpu.memory_space<vmem>>, vector<30xf32>
    %div3A_189 = arith.constant 2.000000e+03 : f32
    %div3A_190 = vector.broadcast %div3A_189 : f32 to vector<1x30xf32>
    %div3A_191 = arith.divf %scan3A_178, %div3A_190 : vector<1x30xf32>
    %scan3A_192 = arith.constant 0 : i32
    %scan3A_193 = arith.constant 20 : i32
    %scan3A_194 = arith.addi %scan3A_192, %scan3A_193 : i32
    %scan3A_195 = arith.constant 1 : i32
    %scan3A_196 = scf.for %scan3A_316 = %scan3A_192 to %scan3A_194 step %scan3A_195 iter_args(%scan3A_317 = %broadcast_in_dim3A_10) -> (vector<1x30xf32>)  : i32 {
      %get3A_318 = arith.index_cast %scan3A_316 : i32 to index
      %get3A_319 = arith.constant 0 : index
      %get3A_320 = arith.constant 0 : index
      %get3A_321 = vector.load %arg46[%get3A_318, %get3A_319, %get3A_320] : memref<20x100x30xf32, #tpu.memory_space<vmem>>, vector<1x100x30xf32>
      %squeeze3A = vector.shape_cast %get3A_321 : vector<1x100x30xf32> to vector<100x30xf32>
      %sub3A_322 = vector.broadcast %div3A_191 : vector<1x30xf32> to vector<100x30xf32>
      %sub3A_323 = arith.subf %squeeze3A, %sub3A_322 : vector<100x30xf32>
      %mul3A_324 = arith.mulf %sub3A_323, %sub3A_323 : vector<100x30xf32>
      %reduce_sum3A = arith.constant dense<0.000000e+00> : vector<30xf32>
      %reduce_sum3A_325 = vector.multi_reduction <add>, %mul3A_324, %reduce_sum3A [0] : vector<100x30xf32> to vector<30xf32>
      %broadcast_in_dim3A_326 = vector.shape_cast %reduce_sum3A_325 : vector<30xf32> to vector<1x30xf32>
      %add3A_327 = arith.addf %scan3A_317, %broadcast_in_dim3A_326 : vector<1x30xf32>
      scf.yield %add3A_327 : vector<1x30xf32>
    }
    %scan3A_197 = arith.constant 20 : i32
    %div3A_198 = arith.constant 2.000000e+03 : f32
    %div3A_199 = vector.broadcast %div3A_198 : f32 to vector<1x30xf32>
    %div3A_200 = arith.divf %scan3A_196, %div3A_199 : vector<1x30xf32>
    %add3A_201 = arith.constant 9.99999974E-6 : f32
    %add3A_202 = vector.broadcast %add3A_201 : f32 to vector<1x30xf32>
    %add3A_203 = arith.addf %div3A_200, %add3A_202 : vector<1x30xf32>
    %rsqrt3A_204 = math.rsqrt %add3A_203 : vector<1x30xf32>
    %broadcast_in_dim3A_205 = vector.shape_cast %get3A_181 : vector<30xf32> to vector<1x30xf32>
    %mul3A_206 = arith.mulf %rsqrt3A_204, %broadcast_in_dim3A_205 : vector<1x30xf32>
    %mul3A_207 = arith.mulf %div3A_191, %mul3A_206 : vector<1x30xf32>
    %broadcast_in_dim3A_208 = vector.shape_cast %get3A_183 : vector<30xf32> to vector<1x30xf32>
    %sub3A_209 = arith.subf %broadcast_in_dim3A_208, %mul3A_207 : vector<1x30xf32>
    %scan3A_210 = arith.constant 0 : i32
    %scan3A_211 = arith.constant 20 : i32
    %scan3A_212 = arith.addi %scan3A_210, %scan3A_211 : i32
    %scan3A_213 = arith.constant 1 : i32
    %scan3A_214 = scf.for %scan3A_316 = %scan3A_210 to %scan3A_212 step %scan3A_213 iter_args(%scan3A_317 = %broadcast_in_dim3A_10) -> (vector<1x30xf32>)  : i32 {
      %get3A_318 = arith.index_cast %scan3A_316 : i32 to index
      %get3A_319 = arith.constant 0 : index
      %get3A_320 = arith.constant 0 : index
      %get3A_321 = vector.load %arg46[%get3A_318, %get3A_319, %get3A_320] : memref<20x100x30xf32, #tpu.memory_space<vmem>>, vector<1x100x30xf32>
      %squeeze3A = vector.shape_cast %get3A_321 : vector<1x100x30xf32> to vector<100x30xf32>
      %mul3A_322 = vector.broadcast %mul3A_206 : vector<1x30xf32> to vector<100x30xf32>
      %mul3A_323 = arith.mulf %squeeze3A, %mul3A_322 : vector<100x30xf32>
      %add3A_324 = vector.broadcast %sub3A_209 : vector<1x30xf32> to vector<100x30xf32>
      %add3A_325 = arith.addf %mul3A_323, %add3A_324 : vector<100x30xf32>
      %broadcast_in_dim3A_326 = vector.shape_cast %add3A_325 : vector<100x30xf32> to vector<1x100x30xf32>
      %swap3A_327 = arith.index_cast %scan3A_316 : i32 to index
      %swap3A_328 = arith.constant 0 : index
      %swap3A_329 = arith.constant 0 : index
      %swap3A_330 = vector.load %arg47[%swap3A_327, %swap3A_328, %swap3A_329] : memref<20x100x30xf32, #tpu.memory_space<vmem>>, vector<1x100x30xf32>
      tpu.vector_store %arg47[%swap3A_327, %swap3A_328, %swap3A_329], %broadcast_in_dim3A_326 {strides = array<i32>} : memref<20x100x30xf32, #tpu.memory_space<vmem>>, vector<1x100x30xf32>,
      %reduce_max3A = arith.constant dense<0xFF800000> : vector<30xf32>
      %reduce_max3A_331 = vector.multi_reduction <maximumf>, %add3A_325, %reduce_max3A [0] : vector<100x30xf32> to vector<30xf32>
      %broadcast_in_dim3A_332 = vector.shape_cast %reduce_max3A_331 : vector<30xf32> to vector<1x30xf32>
      %swap3A_333 = arith.index_cast %scan3A_316 : i32 to index
      %swap3A_334 = arith.constant 0 : index
      %swap3A_335 = vector.load %arg51[%swap3A_333, %swap3A_334] : memref<20x90xf32, #tpu.memory_space<vmem>>, vector<1x30xf32>
      tpu.vector_store %arg51[%swap3A_333, %swap3A_334], %broadcast_in_dim3A_332 {strides = array<i32>} : memref<20x90xf32, #tpu.memory_space<vmem>>, vector<1x30xf32>,
      %dot_general3A_336 = arith.constant dense<0.000000e+00> : vector<100x30xf32>
      %dot_general3A_337 = tpu.matmul %add3A_325, %get3A_186, %dot_general3A_336 {dimension_numbers = #tpu.dot_dimension_numbers<[1], [0], [0], [1], [0, 0, 1, 1], [], []>, precision = #tpu.contract_precision<fp32>, transpose_lhs_hint = false} : vector<100x30xf32>, vector<30x30xf32>, vector<100x30xf32> -> vector<100x30xf32>
      %get3A_338 = arith.index_cast %scan3A_316 : i32 to index
      %get3A_339 = arith.constant 0 : index
      %get3A_340 = arith.constant 0 : index
      %get3A_341 = vector.load %arg45[%get3A_338, %get3A_339, %get3A_340] : memref<20x100x100xf32, #tpu.memory_space<vmem>>, vector<1x100x100xf32>
      %squeeze3A_342 = vector.shape_cast %get3A_341 : vector<1x100x100xf32> to vector<100x100xf32>
      %add3A_343 = arith.addf %squeeze3A_342, %convert_element_type3A_158 : vector<100x100xf32>
      %dot_general3A_344 = arith.constant dense<0.000000e+00> : vector<100x1xf32>
      %dot_general3A_345 = tpu.matmul %add3A_343, %broadcast_in_dim3A_173, %dot_general3A_344 {dimension_numbers = #tpu.dot_dimension_numbers<[1], [0], [0], [1], [0, 0, 1, 1], [], []>, precision = #tpu.contract_precision<fp32>, transpose_lhs_hint = false} : vector<100x100xf32>, vector<100x1xf32>, vector<100x1xf32> -> vector<100x1xf32>
      %add3A_346 = arith.constant 9.99999971E-10 : f32
      %add3A_347 = vector.broadcast %add3A_346 : f32 to vector<100x1xf32>
      %add3A_348 = arith.addf %dot_general3A_345, %add3A_347 : vector<100x1xf32>
      %rsqrt3A_349 = math.rsqrt %add3A_348 : vector<100x1xf32>
      %mul3A_350 = vector.broadcast %rsqrt3A_349 : vector<100x1xf32> to vector<100x30xf32>
      %mul3A_351 = arith.mulf %mul3A_350, %dot_general3A_337 : vector<100x30xf32>
      %dot_general3A_352 = arith.constant dense<0.000000e+00> : vector<100x30xf32>
      %dot_general3A_353 = tpu.matmul %add3A_343, %mul3A_351, %dot_general3A_352 {dimension_numbers = #tpu.dot_dimension_numbers<[1], [0], [0], [1], [0, 0, 1, 1], [], []>, precision = #tpu.contract_precision<fp32>, transpose_lhs_hint = false} : vector<100x100xf32>, vector<100x30xf32>, vector<100x30xf32> -> vector<100x30xf32>
      %mul3A_354 = vector.broadcast %rsqrt3A_349 : vector<100x1xf32> to vector<100x30xf32>
      %mul3A_355 = arith.mulf %mul3A_354, %dot_general3A_353 : vector<100x30xf32>
      %broadcast_in_dim3A_356 = vector.shape_cast %get3A_188 : vector<30xf32> to vector<1x30xf32>
      %add3A_357 = vector.broadcast %broadcast_in_dim3A_356 : vector<1x30xf32> to vector<100x30xf32>
      %add3A_358 = arith.addf %mul3A_355, %add3A_357 : vector<100x30xf32>
      %broadcast_in_dim3A_359 = vector.shape_cast %add3A_358 : vector<100x30xf32> to vector<1x100x30xf32>
      %swap3A_360 = arith.index_cast %scan3A_316 : i32 to index
      %swap3A_361 = arith.constant 0 : index
      %swap3A_362 = arith.constant 0 : index
      %swap3A_363 = vector.load %arg46[%swap3A_360, %swap3A_361, %swap3A_362] : memref<20x100x30xf32, #tpu.memory_space<vmem>>, vector<1x100x30xf32>
      tpu.vector_store %arg46[%swap3A_360, %swap3A_361, %swap3A_362], %broadcast_in_dim3A_359 {strides = array<i32>} : memref<20x100x30xf32, #tpu.memory_space<vmem>>, vector<1x100x30xf32>,
      %reduce_sum3A = arith.constant dense<0.000000e+00> : vector<30xf32>
      %reduce_sum3A_364 = vector.multi_reduction <add>, %add3A_358, %reduce_sum3A [0] : vector<100x30xf32> to vector<30xf32>
      %broadcast_in_dim3A_365 = vector.shape_cast %reduce_sum3A_364 : vector<30xf32> to vector<1x30xf32>
      %add3A_366 = arith.addf %scan3A_317, %broadcast_in_dim3A_365 : vector<1x30xf32>
      scf.yield %add3A_366 : vector<1x30xf32>
    }
    %scan3A_215 = arith.constant 20 : i32
    %get3A_216 = arith.constant 0 : index
    %get3A_217 = vector.load %arg20[%get3A_216] : memref<30xf32, #tpu.memory_space<vmem>>, vector<30xf32>
    %get3A_218 = arith.constant 0 : index
    %get3A_219 = vector.load %arg21[%get3A_218] : memref<30xf32, #tpu.memory_space<vmem>>, vector<30xf32>
    %get3A_220 = arith.constant 0 : index
    %get3A_221 = arith.constant 0 : index
    %get3A_222 = vector.load %arg30[%get3A_220, %get3A_221] : memref<30x30xf32, #tpu.memory_space<vmem>>, vector<30x30xf32>
    %get3A_223 = arith.constant 0 : index
    %get3A_224 = vector.load %arg31[%get3A_223] : memref<30xf32, #tpu.memory_space<vmem>>, vector<30xf32>
    %div3A_225 = arith.constant 2.000000e+03 : f32
    %div3A_226 = vector.broadcast %div3A_225 : f32 to vector<1x30xf32>
    %div3A_227 = arith.divf %scan3A_214, %div3A_226 : vector<1x30xf32>
    %scan3A_228 = arith.constant 0 : i32
    %scan3A_229 = arith.constant 20 : i32
    %scan3A_230 = arith.addi %scan3A_228, %scan3A_229 : i32
    %scan3A_231 = arith.constant 1 : i32
    %scan3A_232 = scf.for %scan3A_316 = %scan3A_228 to %scan3A_230 step %scan3A_231 iter_args(%scan3A_317 = %broadcast_in_dim3A_10) -> (vector<1x30xf32>)  : i32 {
      %get3A_318 = arith.index_cast %scan3A_316 : i32 to index
      %get3A_319 = arith.constant 0 : index
      %get3A_320 = arith.constant 0 : index
      %get3A_321 = vector.load %arg46[%get3A_318, %get3A_319, %get3A_320] : memref<20x100x30xf32, #tpu.memory_space<vmem>>, vector<1x100x30xf32>
      %squeeze3A = vector.shape_cast %get3A_321 : vector<1x100x30xf32> to vector<100x30xf32>
      %sub3A_322 = vector.broadcast %div3A_227 : vector<1x30xf32> to vector<100x30xf32>
      %sub3A_323 = arith.subf %squeeze3A, %sub3A_322 : vector<100x30xf32>
      %mul3A_324 = arith.mulf %sub3A_323, %sub3A_323 : vector<100x30xf32>
      %reduce_sum3A = arith.constant dense<0.000000e+00> : vector<30xf32>
      %reduce_sum3A_325 = vector.multi_reduction <add>, %mul3A_324, %reduce_sum3A [0] : vector<100x30xf32> to vector<30xf32>
      %broadcast_in_dim3A_326 = vector.shape_cast %reduce_sum3A_325 : vector<30xf32> to vector<1x30xf32>
      %add3A_327 = arith.addf %scan3A_317, %broadcast_in_dim3A_326 : vector<1x30xf32>
      scf.yield %add3A_327 : vector<1x30xf32>
    }
    %scan3A_233 = arith.constant 20 : i32
    %div3A_234 = arith.constant 2.000000e+03 : f32
    %div3A_235 = vector.broadcast %div3A_234 : f32 to vector<1x30xf32>
    %div3A_236 = arith.divf %scan3A_232, %div3A_235 : vector<1x30xf32>
    %add3A_237 = arith.constant 9.99999974E-6 : f32
    %add3A_238 = vector.broadcast %add3A_237 : f32 to vector<1x30xf32>
    %add3A_239 = arith.addf %div3A_236, %add3A_238 : vector<1x30xf32>
    %rsqrt3A_240 = math.rsqrt %add3A_239 : vector<1x30xf32>
    %broadcast_in_dim3A_241 = vector.shape_cast %get3A_217 : vector<30xf32> to vector<1x30xf32>
    %mul3A_242 = arith.mulf %rsqrt3A_240, %broadcast_in_dim3A_241 : vector<1x30xf32>
    %mul3A_243 = arith.mulf %div3A_227, %mul3A_242 : vector<1x30xf32>
    %broadcast_in_dim3A_244 = vector.shape_cast %get3A_219 : vector<30xf32> to vector<1x30xf32>
    %sub3A_245 = arith.subf %broadcast_in_dim3A_244, %mul3A_243 : vector<1x30xf32>
    %scan3A_246 = arith.constant 0 : i32
    %scan3A_247 = arith.constant 20 : i32
    %scan3A_248 = arith.addi %scan3A_246, %scan3A_247 : i32
    %scan3A_249 = arith.constant 1 : i32
    %scan3A_250 = scf.for %scan3A_316 = %scan3A_246 to %scan3A_248 step %scan3A_249 iter_args(%scan3A_317 = %broadcast_in_dim3A_10) -> (vector<1x30xf32>)  : i32 {
      %get3A_318 = arith.index_cast %scan3A_316 : i32 to index
      %get3A_319 = arith.constant 0 : index
      %get3A_320 = arith.constant 0 : index
      %get3A_321 = vector.load %arg46[%get3A_318, %get3A_319, %get3A_320] : memref<20x100x30xf32, #tpu.memory_space<vmem>>, vector<1x100x30xf32>
      %squeeze3A = vector.shape_cast %get3A_321 : vector<1x100x30xf32> to vector<100x30xf32>
      %mul3A_322 = vector.broadcast %mul3A_242 : vector<1x30xf32> to vector<100x30xf32>
      %mul3A_323 = arith.mulf %squeeze3A, %mul3A_322 : vector<100x30xf32>
      %add3A_324 = vector.broadcast %sub3A_245 : vector<1x30xf32> to vector<100x30xf32>
      %add3A_325 = arith.addf %mul3A_323, %add3A_324 : vector<100x30xf32>
      %broadcast_in_dim3A_326 = vector.shape_cast %add3A_325 : vector<100x30xf32> to vector<1x100x30xf32>
      %swap3A_327 = arith.index_cast %scan3A_316 : i32 to index
      %swap3A_328 = arith.constant 0 : index
      %swap3A_329 = arith.constant 0 : index
      %swap3A_330 = vector.load %arg48[%swap3A_327, %swap3A_328, %swap3A_329] : memref<20x100x30xf32, #tpu.memory_space<vmem>>, vector<1x100x30xf32>
      tpu.vector_store %arg48[%swap3A_327, %swap3A_328, %swap3A_329], %broadcast_in_dim3A_326 {strides = array<i32>} : memref<20x100x30xf32, #tpu.memory_space<vmem>>, vector<1x100x30xf32>,
      %reduce_max3A = arith.constant dense<0xFF800000> : vector<30xf32>
      %reduce_max3A_331 = vector.multi_reduction <maximumf>, %add3A_325, %reduce_max3A [0] : vector<100x30xf32> to vector<30xf32>
      %broadcast_in_dim3A_332 = vector.shape_cast %reduce_max3A_331 : vector<30xf32> to vector<1x30xf32>
      %swap3A_333 = arith.index_cast %scan3A_316 : i32 to index
      %swap3A_334 = arith.constant 30 : index
      %swap3A_335 = vector.load %arg51[%swap3A_333, %swap3A_334] : memref<20x90xf32, #tpu.memory_space<vmem>>, vector<1x30xf32>
      tpu.vector_store %arg51[%swap3A_333, %swap3A_334], %broadcast_in_dim3A_332 {strides = array<i32>} : memref<20x90xf32, #tpu.memory_space<vmem>>, vector<1x30xf32>,
      %dot_general3A_336 = arith.constant dense<0.000000e+00> : vector<100x30xf32>
      %dot_general3A_337 = tpu.matmul %add3A_325, %get3A_222, %dot_general3A_336 {dimension_numbers = #tpu.dot_dimension_numbers<[1], [0], [0], [1], [0, 0, 1, 1], [], []>, precision = #tpu.contract_precision<fp32>, transpose_lhs_hint = false} : vector<100x30xf32>, vector<30x30xf32>, vector<100x30xf32> -> vector<100x30xf32>
      %get3A_338 = arith.index_cast %scan3A_316 : i32 to index
      %get3A_339 = arith.constant 0 : index
      %get3A_340 = arith.constant 0 : index
      %get3A_341 = vector.load %arg45[%get3A_338, %get3A_339, %get3A_340] : memref<20x100x100xf32, #tpu.memory_space<vmem>>, vector<1x100x100xf32>
      %squeeze3A_342 = vector.shape_cast %get3A_341 : vector<1x100x100xf32> to vector<100x100xf32>
      %add3A_343 = arith.addf %squeeze3A_342, %convert_element_type3A_158 : vector<100x100xf32>
      %dot_general3A_344 = arith.constant dense<0.000000e+00> : vector<100x1xf32>
      %dot_general3A_345 = tpu.matmul %add3A_343, %broadcast_in_dim3A_173, %dot_general3A_344 {dimension_numbers = #tpu.dot_dimension_numbers<[1], [0], [0], [1], [0, 0, 1, 1], [], []>, precision = #tpu.contract_precision<fp32>, transpose_lhs_hint = false} : vector<100x100xf32>, vector<100x1xf32>, vector<100x1xf32> -> vector<100x1xf32>
      %add3A_346 = arith.constant 9.99999971E-10 : f32
      %add3A_347 = vector.broadcast %add3A_346 : f32 to vector<100x1xf32>
      %add3A_348 = arith.addf %dot_general3A_345, %add3A_347 : vector<100x1xf32>
      %rsqrt3A_349 = math.rsqrt %add3A_348 : vector<100x1xf32>
      %mul3A_350 = vector.broadcast %rsqrt3A_349 : vector<100x1xf32> to vector<100x30xf32>
      %mul3A_351 = arith.mulf %mul3A_350, %dot_general3A_337 : vector<100x30xf32>
      %dot_general3A_352 = arith.constant dense<0.000000e+00> : vector<100x30xf32>
      %dot_general3A_353 = tpu.matmul %add3A_343, %mul3A_351, %dot_general3A_352 {dimension_numbers = #tpu.dot_dimension_numbers<[1], [0], [0], [1], [0, 0, 1, 1], [], []>, precision = #tpu.contract_precision<fp32>, transpose_lhs_hint = false} : vector<100x100xf32>, vector<100x30xf32>, vector<100x30xf32> -> vector<100x30xf32>
      %mul3A_354 = vector.broadcast %rsqrt3A_349 : vector<100x1xf32> to vector<100x30xf32>
      %mul3A_355 = arith.mulf %mul3A_354, %dot_general3A_353 : vector<100x30xf32>
      %broadcast_in_dim3A_356 = vector.shape_cast %get3A_224 : vector<30xf32> to vector<1x30xf32>
      %add3A_357 = vector.broadcast %broadcast_in_dim3A_356 : vector<1x30xf32> to vector<100x30xf32>
      %add3A_358 = arith.addf %mul3A_355, %add3A_357 : vector<100x30xf32>
      %broadcast_in_dim3A_359 = vector.shape_cast %add3A_358 : vector<100x30xf32> to vector<1x100x30xf32>
      %swap3A_360 = arith.index_cast %scan3A_316 : i32 to index
      %swap3A_361 = arith.constant 0 : index
      %swap3A_362 = arith.constant 0 : index
      %swap3A_363 = vector.load %arg46[%swap3A_360, %swap3A_361, %swap3A_362] : memref<20x100x30xf32, #tpu.memory_space<vmem>>, vector<1x100x30xf32>
      tpu.vector_store %arg46[%swap3A_360, %swap3A_361, %swap3A_362], %broadcast_in_dim3A_359 {strides = array<i32>} : memref<20x100x30xf32, #tpu.memory_space<vmem>>, vector<1x100x30xf32>,
      %reduce_sum3A = arith.constant dense<0.000000e+00> : vector<30xf32>
      %reduce_sum3A_364 = vector.multi_reduction <add>, %add3A_358, %reduce_sum3A [0] : vector<100x30xf32> to vector<30xf32>
      %broadcast_in_dim3A_365 = vector.shape_cast %reduce_sum3A_364 : vector<30xf32> to vector<1x30xf32>
      %add3A_366 = arith.addf %scan3A_317, %broadcast_in_dim3A_365 : vector<1x30xf32>
      scf.yield %add3A_366 : vector<1x30xf32>
    }
    %scan3A_251 = arith.constant 20 : i32
    %get3A_252 = arith.constant 0 : index
    %get3A_253 = vector.load %arg22[%get3A_252] : memref<30xf32, #tpu.memory_space<vmem>>, vector<30xf32>
    %get3A_254 = arith.constant 0 : index
    %get3A_255 = vector.load %arg23[%get3A_254] : memref<30xf32, #tpu.memory_space<vmem>>, vector<30xf32>
    %div3A_256 = arith.constant 2.000000e+03 : f32
    %div3A_257 = vector.broadcast %div3A_256 : f32 to vector<1x30xf32>
    %div3A_258 = arith.divf %scan3A_250, %div3A_257 : vector<1x30xf32>
    %scan3A_259 = arith.constant 0 : i32
    %scan3A_260 = arith.constant 20 : i32
    %scan3A_261 = arith.addi %scan3A_259, %scan3A_260 : i32
    %scan3A_262 = arith.constant 1 : i32
    %scan3A_263 = scf.for %scan3A_316 = %scan3A_259 to %scan3A_261 step %scan3A_262 iter_args(%scan3A_317 = %broadcast_in_dim3A_10) -> (vector<1x30xf32>)  : i32 {
      %get3A_318 = arith.index_cast %scan3A_316 : i32 to index
      %get3A_319 = arith.constant 0 : index
      %get3A_320 = arith.constant 0 : index
      %get3A_321 = vector.load %arg46[%get3A_318, %get3A_319, %get3A_320] : memref<20x100x30xf32, #tpu.memory_space<vmem>>, vector<1x100x30xf32>
      %squeeze3A = vector.shape_cast %get3A_321 : vector<1x100x30xf32> to vector<100x30xf32>
      %sub3A_322 = vector.broadcast %div3A_258 : vector<1x30xf32> to vector<100x30xf32>
      %sub3A_323 = arith.subf %squeeze3A, %sub3A_322 : vector<100x30xf32>
      %mul3A_324 = arith.mulf %sub3A_323, %sub3A_323 : vector<100x30xf32>
      %reduce_sum3A = arith.constant dense<0.000000e+00> : vector<30xf32>
      %reduce_sum3A_325 = vector.multi_reduction <add>, %mul3A_324, %reduce_sum3A [0] : vector<100x30xf32> to vector<30xf32>
      %broadcast_in_dim3A_326 = vector.shape_cast %reduce_sum3A_325 : vector<30xf32> to vector<1x30xf32>
      %add3A_327 = arith.addf %scan3A_317, %broadcast_in_dim3A_326 : vector<1x30xf32>
      scf.yield %add3A_327 : vector<1x30xf32>
    }
    %scan3A_264 = arith.constant 20 : i32
    %div3A_265 = arith.constant 2.000000e+03 : f32
    %div3A_266 = vector.broadcast %div3A_265 : f32 to vector<1x30xf32>
    %div3A_267 = arith.divf %scan3A_263, %div3A_266 : vector<1x30xf32>
    %add3A_268 = arith.constant 9.99999974E-6 : f32
    %add3A_269 = vector.broadcast %add3A_268 : f32 to vector<1x30xf32>
    %add3A_270 = arith.addf %div3A_267, %add3A_269 : vector<1x30xf32>
    %rsqrt3A_271 = math.rsqrt %add3A_270 : vector<1x30xf32>
    %broadcast_in_dim3A_272 = vector.shape_cast %get3A_253 : vector<30xf32> to vector<1x30xf32>
    %mul3A_273 = arith.mulf %rsqrt3A_271, %broadcast_in_dim3A_272 : vector<1x30xf32>
    %mul3A_274 = arith.mulf %div3A_258, %mul3A_273 : vector<1x30xf32>
    %broadcast_in_dim3A_275 = vector.shape_cast %get3A_255 : vector<30xf32> to vector<1x30xf32>
    %sub3A_276 = arith.subf %broadcast_in_dim3A_275, %mul3A_274 : vector<1x30xf32>
    %scan3A_277 = arith.constant 0 : i32
    %scan3A_278 = arith.constant 20 : i32
    %scan3A_279 = arith.addi %scan3A_277, %scan3A_278 : i32
    %scan3A_280 = arith.constant 1 : i32
    scf.for %scan3A_316 = %scan3A_277 to %scan3A_279 step %scan3A_280  : i32 {
      %get3A_317 = arith.index_cast %scan3A_316 : i32 to index
      %get3A_318 = arith.constant 0 : index
      %get3A_319 = arith.constant 0 : index
      %get3A_320 = vector.load %arg46[%get3A_317, %get3A_318, %get3A_319] : memref<20x100x30xf32, #tpu.memory_space<vmem>>, vector<1x100x30xf32>
      %squeeze3A = vector.shape_cast %get3A_320 : vector<1x100x30xf32> to vector<100x30xf32>
      %mul3A_321 = vector.broadcast %mul3A_273 : vector<1x30xf32> to vector<100x30xf32>
      %mul3A_322 = arith.mulf %squeeze3A, %mul3A_321 : vector<100x30xf32>
      %add3A_323 = vector.broadcast %sub3A_276 : vector<1x30xf32> to vector<100x30xf32>
      %add3A_324 = arith.addf %mul3A_322, %add3A_323 : vector<100x30xf32>
      %broadcast_in_dim3A_325 = vector.shape_cast %add3A_324 : vector<100x30xf32> to vector<1x100x30xf32>
      %swap3A_326 = arith.index_cast %scan3A_316 : i32 to index
      %swap3A_327 = arith.constant 0 : index
      %swap3A_328 = arith.constant 0 : index
      %swap3A_329 = vector.load %arg49[%swap3A_326, %swap3A_327, %swap3A_328] : memref<20x100x30xf32, #tpu.memory_space<vmem>>, vector<1x100x30xf32>
      tpu.vector_store %arg49[%swap3A_326, %swap3A_327, %swap3A_328], %broadcast_in_dim3A_325 {strides = array<i32>} : memref<20x100x30xf32, #tpu.memory_space<vmem>>, vector<1x100x30xf32>,
      %reduce_max3A = arith.constant dense<0xFF800000> : vector<30xf32>
      %reduce_max3A_330 = vector.multi_reduction <maximumf>, %add3A_324, %reduce_max3A [0] : vector<100x30xf32> to vector<30xf32>
      %broadcast_in_dim3A_331 = vector.shape_cast %reduce_max3A_330 : vector<30xf32> to vector<1x30xf32>
      %swap3A_332 = arith.index_cast %scan3A_316 : i32 to index
      %swap3A_333 = arith.constant 60 : index
      %swap3A_334 = vector.load %arg51[%swap3A_332, %swap3A_333] : memref<20x90xf32, #tpu.memory_space<vmem>>, vector<1x30xf32>
      tpu.vector_store %arg51[%swap3A_332, %swap3A_333], %broadcast_in_dim3A_331 {strides = array<i32>} : memref<20x90xf32, #tpu.memory_space<vmem>>, vector<1x30xf32>,
    }
    %scan3A_281 = arith.constant 20 : i32
    %get3A_282 = arith.constant 0 : index
    %get3A_283 = arith.constant 0 : index
    %get3A_284 = vector.load %arg50[%get3A_282, %get3A_283] : memref<20x90xf32, #tpu.memory_space<vmem>>, vector<20x90xf32>
    %get3A_285 = arith.constant 0 : index
    %get3A_286 = arith.constant 0 : index
    %get3A_287 = vector.load %arg51[%get3A_285, %get3A_286] : memref<20x90xf32, #tpu.memory_space<vmem>>, vector<20x90xf32>
    %concatenate3A = tpu.concatenate %get3A_284, %get3A_287 in 1 : vector<20x90xf32>, vector<20x90xf32> -> vector<20x180xf32>
    %get3A_288 = arith.constant 0 : index
    %get3A_289 = arith.constant 0 : index
    %get3A_290 = vector.load %arg32[%get3A_288, %get3A_289] : memref<180x50xf32, #tpu.memory_space<vmem>>, vector<180x50xf32>
    %dot_general3A = arith.constant dense<0.000000e+00> : vector<20x50xf32>
    %dot_general3A_291 = tpu.matmul %concatenate3A, %get3A_290, %dot_general3A {dimension_numbers = #tpu.dot_dimension_numbers<[1], [0], [0], [1], [0, 0, 1, 1], [], []>, precision = #tpu.contract_precision<fp32>, transpose_lhs_hint = false} : vector<20x180xf32>, vector<180x50xf32>, vector<20x50xf32> -> vector<20x50xf32>
    %get3A_292 = arith.constant 0 : index
    %get3A_293 = vector.load %arg33[%get3A_292] : memref<50xf32, #tpu.memory_space<vmem>>, vector<50xf32>
    %broadcast_in_dim3A_294 = vector.shape_cast %get3A_293 : vector<50xf32> to vector<1x50xf32>
    %add3A_295 = vector.broadcast %broadcast_in_dim3A_294 : vector<1x50xf32> to vector<20x50xf32>
    %add3A_296 = arith.addf %dot_general3A_291, %add3A_295 : vector<20x50xf32>
    %max3A = arith.constant 0.000000e+00 : f32
    %max3A_297 = vector.broadcast %max3A : f32 to vector<20x50xf32>
    %max3A_298 = arith.maximumf %add3A_296, %max3A_297 : vector<20x50xf32>
    %get3A_299 = arith.constant 0 : index
    %get3A_300 = arith.constant 0 : index
    %get3A_301 = vector.load %arg34[%get3A_299, %get3A_300] : memref<50x6xf32, #tpu.memory_space<vmem>>, vector<50x6xf32>
    %dot_general3A_302 = arith.constant dense<0.000000e+00> : vector<20x6xf32>
    %dot_general3A_303 = tpu.matmul %max3A_298, %get3A_301, %dot_general3A_302 {dimension_numbers = #tpu.dot_dimension_numbers<[1], [0], [0], [1], [0, 0, 1, 1], [], []>, precision = #tpu.contract_precision<fp32>, transpose_lhs_hint = false} : vector<20x50xf32>, vector<50x6xf32>, vector<20x6xf32> -> vector<20x6xf32>
    %get3A_304 = arith.constant 0 : index
    %get3A_305 = vector.load %arg35[%get3A_304] : memref<6xf32, #tpu.memory_space<vmem>>, vector<6xf32>
    %broadcast_in_dim3A_306 = vector.shape_cast %get3A_305 : vector<6xf32> to vector<1x6xf32>
    %add3A_307 = vector.broadcast %broadcast_in_dim3A_306 : vector<1x6xf32> to vector<20x6xf32>
    %add3A_308 = arith.addf %dot_general3A_303, %add3A_307 : vector<20x6xf32>
    %swap3A_309 = arith.constant 0 : index
    %swap3A_310 = arith.constant 0 : index
    %swap3A_311 = vector.load %arg36[%swap3A_309, %swap3A_310] : memref<20x6xf32, #tpu.memory_space<vmem>>, vector<20x6xf32>
    tpu.vector_store %arg36[%swap3A_309, %swap3A_310], %add3A_308 {strides = array<i32>} : memref<20x6xf32, #tpu.memory_space<vmem>>, vector<20x6xf32>,
    %add3A_312 = arith.addf %div3A_171, %div3A_169 : f32
    %reshape3A = vector.broadcast %add3A_312 : f32 to vector<1x1xf32>
    %swap3A_313 = arith.constant 0 : index
    %swap3A_314 = arith.constant 0 : index
    %swap3A_315 = vector.load %arg37[%swap3A_313, %swap3A_314] : memref<1x1xf32, #tpu.memory_space<vmem>>, vector<1x1xf32>
    tpu.vector_store %arg37[%swap3A_313, %swap3A_314], %reshape3A {strides = array<i32>} : memref<1x1xf32, #tpu.memory_space<vmem>>, vector<1x1xf32>,
    return
  }
}

</mosaic_0001>

<sc_bundles>
// kernel: scatter_offload_async_start
scs
__scs_entry_jumppad:
0x0: {  	(pc) =	sbr.rel $0x88, $3  }
0x1: {  	(tag) =	ssettag $0x0;
	lr =	simm.s32 $0x1  }
0x2: {  	[smem:$0x3F80] =	sst lr;
	_ =	strace $0xD0000000  }
0x3: {  	_ = 	snop  }
0x4: {  	_ = 	snop  }
0x5: {  	_ = 	snop  }
0x6: {  	_ = 	snop  }
0x7: {  	_ = 	snop  }
__scs_overlays_trampoline_lowered:
0x8: {  	[smem:$0x3F8F] =	sst s0  }
0x9: {  	[smem:$0x3F90] =	sst s1  }
0xa: {  	[smem:$0x3F91] =	sst s2  }
0xb: {  	[smem:$0x3F92] =	sst s3  }
0xc: {  	[smem:$0x3F93] =	sst s4  }
0xd: {  	[smem:$0x3F94] =	sst s5  }
0xe: {  	[smem:$0x3F95] =	sst s6  }
0xf: {  	[smem:$0x3F96] =	sst s7  }
0x10: {  	[smem:$0x3F97] =	sst s8  }
0x11: {  	[smem:$0x3F98] =	sst s9;
	s0 =	simm.s32 @!p0 $0x0  }
0x12: {  	s1 =	sld [smem:$0x3F7E];
	s0 =	simm.s32 @p0 $0x1  }
0x13: {  	[smem:$0x3F99] =	sst s0;
	s0 =	simm.s32 @!p1 $0x0  }
0x14: {  	s2 =	sld [smem:$0x3F7D];
	s0 =	simm.s32 @p1 $0x1  }
0x15: {  	[smem:$0x3F9A] =	sst s0;
	s0 =	simm.s32 @!p2 $0x0  }
0x16: {  	s3 =	sld [smem:$0x3FDB];
	s0 =	simm.s32 @p2 $0x1  }
0x17: {  	s4 =	simm.s32 $0x1BF5;
	[smem:$0x3F9C] =	sst s0  }
0x18: {  	s0 =	sld [smem:$0x3F7F];
	_ =	swait.ge [sflag:s4], $0x0  }
0x19: {  	s7 =	sld [smem:$0x3F80]  }
0x1a: {  	s8 =	sadd.s32 $0xFFFFE003, lr  }
0x1b: {  	s9 =	sadd.s32 $0xFFFFFEF7, lr;
	s5 =	simm.s32 $0xFFFFFFFF;
	p2 =	slt.u32 s8, $0xFFFFF086  }
0x1c: {  	p1 =	slt.u32 s9, $0xF7A;
	s5 =	simm.s32 @!p2 $0x0  }
0x1d: {  	s5 =	simm.s32 @p1 $0x1;
	p0 =	seq.s32 s7, s2  }
0x1e: {  	s7 =	smul.u32 @!p0 $0xF7A, s2;
	p2 =	seq.s32 @!p0 s5, $0x0  }
0x1f: {  	s9 =	smul.u32 $0xF7A, s1;
	s8 =	simm.s32 @!p0 $0x1BF5;
	p2 =	por !p2, p0  }
0x20: {  	[sflag:s8] =	ssyncset.s32 @!p0 $0xFFFFF086;
	s6 =	sadd.s32 @!p0 s3, s7;
	s7 =	simm.s32 @!p0 $0x108  }
0x21: {  	s3 =	sadd.s32 s3, s9;
	s6 =	sadd.s32 @!p0 $0x88, s6;
	s7 =	simm.s32 @p2 $0x1082  }
0x22: {  	[simem:s7], [sflag:s8] =	dma.local @!p0 [hbm:s6], $0xF7A  }
0x23: {  	s9 =	sor.u32 $0xD0000000, s2;
	s6 =	simm.s32 $0x108;
	_ =	swait.ge @!p0 [sflag:s8], $0x0  }
0x24: {  	s3 =	sadd.s32 $0x88, s3;
	s6 =	simm.s32 @!p1 $0x1082;
	[sflag:s4] =	ssyncset.s32 $0xFFFFF086  }
0x25: {  	[simem:s6], [sflag:s4] =	dma.local [hbm:s3], $0xF7A  }
0x26: {  	[smem:$0x3F80] =	sst s1;
	(tag) =	ssettag s2;
	_ =	strace s9  }
0x27: {  	s1 =	sld [smem:$0x3F90]  }
0x28: {  	s2 =	sld [smem:$0x3F91]  }
0x29: {  	s4 =	sld [smem:$0x3F93]  }
0x2a: {  	p0 =	seq.s32 s5, $0x0;
	s5 =	sld [smem:$0x3F94]  }
0x2b: {  	s6 =	sld [smem:$0x3F95]  }
0x2c: {  	s7 =	sld [smem:$0x3F96]  }
0x2d: {  	s3 =	simm.s32 $0x108;
	s8 =	sld [smem:$0x3F97]  }
0x2e: {  	s3 =	simm.s32 @!p0 $0x1082;
	s9 =	sld [smem:$0x3F98]  }
0x2f: {  	lr =	sadd.s32 s0, s3;
	s0 =	sld [smem:$0x3F8F]  }
0x30: {  	s3 =	sld [smem:$0x3F92]  }
0x31: {  	[smem:$0x3F9B] =	sst s10  }
0x32: {  	s10 =	sld [smem:$0x3F99];
	_ =	sdelay $0x3  }
0x33: {  	p0 =	seq.s32 s10, $0x1;
	s10 =	sld [smem:$0x3F9B];
	_ =	sdelay $0x3  }
0x34: {  	[smem:$0x3F9B] =	sst s10  }
0x35: {  	s10 =	sld [smem:$0x3F9A];
	_ =	sdelay $0x3  }
0x36: {  	p1 =	seq.s32 s10, $0x1;
	s10 =	sld [smem:$0x3F9B];
	_ =	sdelay $0x3  }
0x37: {  	[smem:$0x3F9B] =	sst s10  }
0x38: {  	s10 =	sld [smem:$0x3F9C]  }
0x39: {  	_ = 	snop;
	(pc) =	sbr.ind lr, $3  }
0x3a: {  	_ = 	snop  }
0x3b: {  	_ = 	snop  }
0x3c: {  	p2 =	seq.s32 s10, $0x1;
	s10 =	sld [smem:$0x3F9B]  }
0x3d: {  	_ =	shalt  }
0x3e: {  	_ =	shalt  }
0x3f: {  	_ =	shalt  }
0x40: {  	_ =	shalt  }
0x41: {  	_ =	shalt  }
0x42: {  	_ =	shalt  }
0x43: {  	_ =	shalt  }
0x44: {  	_ =	shalt  }
0x45: {  	_ =	shalt  }
0x46: {  	_ =	shalt  }
0x47: {  	_ =	shalt  }
0x48: {  	_ =	shalt  }
0x49: {  	_ =	shalt  }
0x4a: {  	_ =	shalt  }
0x4b: {  	_ =	shalt  }
0x4c: {  	_ =	shalt  }
0x4d: {  	_ =	shalt  }
0x4e: {  	_ =	shalt  }
0x4f: {  	_ =	shalt  }
0x50: {  	_ =	shalt  }
0x51: {  	_ =	shalt  }
0x52: {  	_ =	shalt  }
0x53: {  	_ =	shalt  }
0x54: {  	_ =	shalt  }
0x55: {  	_ =	shalt  }
0x56: {  	_ =	shalt  }
0x57: {  	_ =	shalt  }
0x58: {  	_ =	shalt  }
0x59: {  	_ =	shalt  }
0x5a: {  	_ =	shalt  }
0x5b: {  	_ =	shalt  }
0x5c: {  	_ =	shalt  }
0x5d: {  	_ =	shalt  }
0x5e: {  	_ =	shalt  }
0x5f: {  	_ =	shalt  }
0x60: {  	_ =	shalt  }
0x61: {  	_ =	shalt  }
0x62: {  	_ =	shalt  }
0x63: {  	_ =	shalt  }
0x64: {  	_ =	shalt  }
0x65: {  	_ =	shalt  }
0x66: {  	_ =	shalt  }
0x67: {  	_ =	shalt  }
0x68: {  	_ =	shalt  }
0x69: {  	_ =	shalt  }
0x6a: {  	_ =	shalt  }
0x6b: {  	_ =	shalt  }
0x6c: {  	_ =	shalt  }
0x6d: {  	_ =	shalt  }
0x6e: {  	_ =	shalt  }
0x6f: {  	_ =	shalt  }
0x70: {  	_ =	shalt  }
0x71: {  	_ =	shalt  }
0x72: {  	_ =	shalt  }
0x73: {  	_ =	shalt  }
0x74: {  	_ =	shalt  }
0x75: {  	_ =	shalt  }
0x76: {  	_ =	shalt  }
0x77: {  	_ =	shalt  }
0x78: {  	_ =	shalt  }
0x79: {  	_ =	shalt  }
0x7a: {  	_ =	shalt  }
0x7b: {  	_ =	shalt  }
0x7c: {  	_ =	shalt  }
0x7d: {  	_ =	shalt  }
0x7e: {  	_ =	shalt  }
0x7f: {  	_ =	shalt  }
0x80: {  	_ =	shalt  }
0x81: {  	_ =	shalt  }
0x82: {  	_ =	shalt  }
0x83: {  	_ =	shalt  }
0x84: {  	_ =	shalt  }
0x85: {  	_ =	shalt  }
0x86: {  	_ =	shalt  }
0x87: {  	_ =	shalt  }
.Lfunc_end0:
.L_simem_size_0:
called_computation_lowered:
.L_overlay_start_0:
0x88: {  	s0 =	sld [smem:$0x3FD9]  }
0x89: {  	s1 =	sld [smem:$0x3FFE];
	_ =	sdelay $0x3  }
0x8a: {  	s0 =	sadd.s32 s1, s0  }
0x8b: {  	[smem:$0x3FA7] =	sst s0  }
0x8c: {  	_ = 	snop  }
0x8d: {  	(tm) =	ssettm $0x1  }
0x8e: {  	s15 =	sld [smem:$0x3FFB];
	_ =	sdelay $0x3  }
0x8f: {  	_ =	strace s15  }
0x90: {  	s0 =	sld [smem:$0x3FFC];
	_ =	sdelay $0x3  }
0x91: {  	_ =	strace s0  }
0x92: {  	s0 =	sld [smem:$0x3FFD];
	_ =	sdelay $0x3  }
0x93: {  	_ =	strace s0  }
0x94: {  	_ =	strace $0x8FFFFFFF  }
0x95: {  	s16 =	sld [smem:$0x3FDB];
	_ =	sdelay $0x1  }
0x96: {  	s17 =	simm.s32 $_scs_section_size  }
0x97: {  	s2 =	simm.s32 $_size__tile_overlayer_lowered;
	s3 =	simm.s32 $_tile_overlayer_lowered  }
0x98: {  	s20 =	simm.s32 $0x1BFF;
	s19 =	sshll.u32 s3, $0x1;
	s0 =	sadd.s32 s17, s16  }
0x99: {  	s4 =	simm.s32 $0x0;
	s18 =	sshll.u32 s2, $0x1;
	s2 =	sadd.s32 s19, s0  }
0x9a: {  	[timem:s4], [sflag:s20] =	dma.local [hbm:s2], s18  }
0x9b: {  	_ =	swait.ge [sflag:s20], s18  }
0x9c: {  	s1 =	ssub.s32 $0x0, s18;
	[sflag:s20] =	ssyncset.done $0x0  }
0x9d: {  	[sflag:s20] =	ssyncadd.s32 s1;
	_ =	sdelay $0x1  }
0x9e: {  	s21 =	simm.s32 $0x1B8B  }
0x9f: {  	_ =	swait.ge [sflag:s21], $0x1  }
0xa0: {  	[sflag:s21] =	ssyncset.done $0x0  }
0xa1: {  	s23 =	simm.s32 $0x1B8E;
	s22 =	sld [smem:$0x3FFE];
	[sflag:s21] =	ssyncadd.s32 $0xFFFFFFFF  }
0xa2: {  	s24 =	simm.s32 $execute0_lowered;
	[smem:$0x3FD2] =	sst s23  }
0xa3: {  	s2 =	sshll.u32 s24, $0x1;
	_ =	strace $0x80000046;
	[dreg:$0x1] =	wrdreg $0xFFFFFFFF  }
0xa4: {  	s25 =	simm.s32 $_size_execute0_lowered;
	s0 =	sadd.s32 s0, s2;
	[dreg:$0x0] =	wrdreg $0x0  }
0xa5: {  	s2 =	sshll.u32 s25, $0x1;
	[dreg:$0x2] =	wrdreg s0  }
0xa6: {  	[dreg:$0x3] =	wrdreg s2  }
0xa7: {  	[dreg:$0x4] =	wrdreg $0xC0  }
0xa8: {  	_ =	task [dreg:s4], $0x5FFFF  }
0xa9: {  	[dreg:$0x1] =	wrdreg $0xFFFFFFFF  }
0xaa: {  	[dreg:$0x0] =	wrdreg $0x60  }
0xab: {  	[dreg:$0x2] =	wrdreg s22  }
0xac: {  	[dreg:$0x3] =	wrdreg $0x9  }
0xad: {  	_ =	task.clear_ibuf [dreg:s4], $0x4FFFF;
	_ =	strace $0x90000046  }
0xae: {  	s26 =	simm.s32 $0x9;
	_ =	strace $0x80000048  }
0xaf: {  	_ =	swait.ge [sflag:s26], $0x1  }
0xb0: {  	[sflag:s26] =	ssyncadd.s32 $0xFFFFFFFF  }
0xb1: {  	_ =	strace $0x90000048  }
0xb2: {  	_ =	sfence  }
0xb3: {  	s28 =	sld [smem:$0x0];
	_ =	sdelay $0x1  }
0xb4: {  	s29 =	srdreg.scid  }
0xb5: {  	s30 =	sshll.u32 s29, $0xD;
	s31 =	sshrl.u32 s29, $0x2  }
0xb6: {  	s1 =	sand.u32 $0x1, s29;
	s2 =	sand.u32 $0x4000, s30;
	s0 =	sadd.s32 s31, s28  }
0xb7: {  	s1 =	sor.u32 s2, s1;
	s0 =	sshll.u32 s0, $0x11  }
0xb8: {  	s0 =	sor.u32 s0, s1  }
0xb9: {  	s0 =	sadd.s32 $0x8F2B, s0  }
0xba: {  	[sflag:s0] =	ssyncadd.remote.s32 $0x1  }
0xbb: {  	_ =	sfence.sel $0xFFFF  }
0xbc: {  	[dreg:$0x0] =	wrdreg $0xFFFFFFFF;
	(pc) =	sbr.abs _section_cstart, $3  }
0xbd: {  	[dreg:$0x1] =	wrdreg $0xFFFFFFFF  }
0xbe: {  	_ =	task.clear_ibuf [dreg:s4], $0x2FFFF;
	_ =	strace $0x9FFFFFFF  }
0xbf: {  	(tm) =	ssettm $0x7FFFFFFF  }
tec
execute0_lowered:
.L_overlay_start_1:
0x0: {  	(tag) =	ssettag $0x1  }
0x1: {  	s0 =	rddreg [dreg:$0x0]  }
0x2: {  	s14 =	stileid.u32;
	_ =	strace $0x80000047;
	s2 =	simm.s32 $0x1  }
0x3: {  	v1 =	vimm.s32 $0xFFFFFFFF;
	s1 =	smin.u32 s14, $0x4;
	[sflag:s2] =	ssyncpa.u1 $0x0  }
0x4: {  	s1 =	sadd.s32 s14, s1;
	[tilespmem:$0x10] =	vst v1  }
0x5: {  	v0 =	vimm.f32 $0.0e+00;
	p0 =	slt.u32 s14, $0x4;
	[tilespmem:$0x20] =	vst v1;
	s3 =	smul.u32 $0x1F40, s1;
	s1 =	simm.s32 $0x3E80  }
0x6: {  	[tilespmem:$0x30] =	vst v0;
	s1 =	simm.s32 @!p0 $0x1F40  }
0x7: {  	[tilespmem:$0x40] =	vst v0;
	s1 =	sadd.s32 s1, s3  }
0x8: {  	[tilespmem:$0x50] =	vst v0;
	s4 =	smin.u32 s1, $0x27100  }
0x9: {  	[tilespmem:$0x60] =	vst v1;
	s9 =	ssub.s32 s4, s3  }
0xa: {  	s7 =	simm.s32 $0x2;
	s8 =	simm.s32 $0x8;
	[tilespmem:$0x70] =	vst v1;
	p0 =	sgt.s32 s9, $0x0  }
0xb: {  	s31 =	simm.s32 $0x9;
	s16 =	simm.s32 $0x0;
	[tilespmem:$0x80] =	vst v1;
	s9 =	simm.s32 @!p0 $0x0  }
0xc: {  	s17 =	simm.s32 $0xF0;
	s18 =	simm.s32 $0xFFFFFFFF;
	v1 =	vimm.s32 $0x0;
	[tilespmem:$0xB0] =	vst v0;
	s5 =	smulhi.u32 $0x10624DD3, s9  }
0xd: {  	s19 =	simm.s32 $0xFFFFC280;
	s20 =	simm.s32 $0xFFFFFFFE;
	s21 =	simm.s32 $0xF;
	[tilespmem:$0x90] =	vst v1  }
0xe: {  	[tilespmem:$0xA0] =	vst v1;
	[sflag:s7] =	ssyncpa.u1 $0x0;
	s7 =	simm.s32 $0x7;
	s10 =	sshrl.u32 s5, $0x9  }
0xf: {  	s25 =	simm.s32 $0x0;
	[sflag:s7] =	ssyncpa.u1 $0x0;
	s11 =	smul.u32 $0x1F40, s10  }
0x10: {  	s24 =	simm.s32 $0x0;
	s6 =	sadd.s32 $0x119A00, s0;
	[sflag:s8] =	ssyncpa.u1 $0x0  }
.Ltmp0:
0x11: {  	s23 =	smov.u32 s3;
	p0 =	sne.s32 s9, s11;
	(pc) =	sbr.rel .LBB2_1-.Ltmp0, $4  }
0x12: {  	s1 =	sadd.s32 $0x11EA00, s0;
	[sflag:s31] =	ssyncpa.u1 $0x0;
	s2 =	simm.s32 @!p0 $0x0  }
0x13: {  	s5 =	sadd.s32 $0x114A00, s0;
	p0 =	por $0x0, $0x0;
	s9 =	sadd.s32 s2, s10  }
0x14: {  	vm0 =	vmmov $0xffff;
	v2 =	vlaneseq.u32;
	s10 =	sshll.u32 s14, $0x1;
	s14 =	sshllo.u32 s14, $0x1;
	s11 =	sadd.s32 $0x1, s9  }
0x15: {  	vm1 =	vmxor vm1, vm1;
	vm2 =	vmmov $0x1;
	vm3 =	vcmask $0x3F3C;
	s12 =	sadd.s32 $0x2, s9;
	s13 =	sor.u32 $0x81, s10;
	s15 =	sor.u32 $0x80, s10  }
.LBB2_9:
0x16: {  	p1 =	slt.u32 s24, $0x3  }
0x17: {  	s0 =	simm.s32 @!p1 $0x2  }
0x18: {  	_ =	swait.ge @!p1 [sflag:s0], $0x1F40  }
0x19: {  	[sflag:s0] =	ssyncset.done @!p1 $0x0  }
0x1a: {  	[sflag:s0] =	ssyncadd.s32 @!p1 $0xFFFFE0C0;
	s0 =	simm.s32 @!p1 $0x9  }
0x1b: {  	_ =	swait.ge @!p1 [sflag:s0], $0x10  }
0x1c: {  	[sflag:s0] =	ssyncset.done @!p1 $0x0  }
0x1d: {  	[sflag:s0] =	ssyncadd.s32 @!p1 $0xFFFFFFF0;
	p1 =	sne.s32 s24, s12  }
.Ltmp1:
0x1e: {  	s2 =	sadd.s32 $0x1F40, s23;
	(pc) =	sbr.rel @!p1 .LBB2_10-.Ltmp1, $4  }
0x1f: {  	s22 =	smov.u32 s3;
	s31 =	sadd.s32 $0x1, s24;
	s17 =	sadd.s32 $0x1F40, s17  }
0x20: {  	s18 =	sadd.s32 $0x1, s18;
	s25 =	smov.u32 s23;
	p2 =	slt.s32 s2, s4  }
0x21: {  	p0 =	por !p0, !p0;
	s19 =	sadd.s32 $0x1F40, s19;
	s22 =	smov.u32 @p2 s2  }
0x22: {  	s20 =	sadd.s32 $0x1, s20;
	s23 =	smov.u32 s22;
	s24 =	smov.u32 s31  }
.LBB2_1:
0x23: {  	p1 =	sge.u32 s24, s9  }
0x24: {  	s0 =	smulhi.u32 @!p1 $0xAAAAAAAB, s24;
	_ =	sdelay $0x1  }
0x25: {  	s0 =	sshrl.u32 @!p1 s0, $0x1  }
0x26: {  	s0 =	smul.u32 @!p1 $0x3, s0;
	_ =	sdelay $0x1  }
0x27: {  	s0 =	ssub.s32 @!p1 s24, s0  }
0x28: {  	s0 =	smul.u32 @!p1 $0x7D00, s0;
	_ =	sdelay $0x1  }
0x29: {  	s2 =	sshrl.u32 @!p1 s23, $0x3;
	s0 =	sshrl.u32 @!p1 s0, $0x2  }
0x2a: {  	s22 =	sand.u32 @!p1 $0x7, s23;
	s2 =	sadd.s32 @!p1 s5, s2;
	s0 =	sadd.s32 @!p1 $0x100, s0  }
0x2b: {  	[tilespmem:s0], [sflag:$0x7] =	stream.linear.gather @!p1 [hbm4b:s2+s22], $0x1F40, $0x38;
	[tilespmem:$0x11A60] =	vst v63  }
0x2c: {  	s0 =	sadd.s32 $0xFFFFFFFF, s24  }
0x2d: {  	p1 =	sge.u32 s0, s9  }
.Ltmp2:
0x2e: {  	_ = 	snop;
	(pc) =	sbr.rel @p1 .LBB2_5-.Ltmp2, $1  }
0x2f: {  	_ =	sdelay $0x3  }
0x30: {  	s2 =	smulhi.u32 $0xAAAAAAAB, s0;
	_ =	sdelay $0x1  }
0x31: {  	s2 =	sshrl.u32 s2, $0x1  }
0x32: {  	s2 =	smul.u32 $0x3, s2;
	_ =	sdelay $0x1  }
0x33: {  	s2 =	ssub.s32 s0, s2  }
0x34: {  	s2 =	smul.u32 $0x7D00, s2  }
0x35: {  	_ =	swait.ge [sflag:s7], $0x1F40  }
0x36: {  	[sflag:s7] =	ssyncset.done $0x0;
	s2 =	sshrl.u32 s2, $0x2  }
0x37: {  	[sflag:s7] =	ssyncadd.s32 $0xFFFFE0C0;
	(ifvalue) =	ssetifvalue $0xFFFFFFFF;
	v3 =	vld.msk [tilespmem:s2+$0x100 ss:$0x1], $0xffff;
	_ =	sdelay $0x2  }
0x38: {  	s30 =	smulhi.u32 $0xAAAAAAAB, s18;
	p1 =	sne.s32 s24, $0x1  }
0x39: {  	v4 =	vimm.s32 @!p1 $0x0  }
0x3a: {  	s2 =	sshrl.u32 s30, $0x1;
	v4 =	vperm.xlane @!p1 v3, v4  }
0x3b: {  	s22 =	sshll.u32 s24, $0x4;
	s2 =	smul.u32 $0xFFFE8900, s2;
	vm4 =	vlt.u32 v3, $0x4C4C00  }
0x3c: {  	s22 =	sand.u32 $0x10, s22;
	v3 =	vnsel vm4, $0xFFFFFFFE, v3;
	vm4 =	vlt.u32 @!p1 v4, $0x4C4C00  }
0x3d: {  	s2 =	sshra.s32 s2, $0x2;
	[tilespmem:s22+$0x60] =	vst v3;
	v3 =	vnsel @!p1 vm4, $0xFFFFFFFE, v4  }
0x3e: {  	s28 =	sadd.s32 s2, s17;
	[tilespmem:$0x80] =	vst @!p1 v3  }
0x3f: {  	v3 =	vld.msk [tilespmem:s28+$0x0 ss:$0x1], $0xffff;
	_ =	sdelay $0x4  }
0x40: {  	(xrf1) =	vunique.msk.u32 $0xffff, v3;
	_ =	sdelay $0xd  }
0x41: {  	v4 =	vimm.s32 $0xFFFFFFFF;
	v5, _, _ =	vpop (xrf1)  }
0x42: {  	vm5 =	vne.s32 v3, v4;
	vm4 =	veq.s32 v5, v2  }
0x43: {  	vm6 =	vlt.u32 v3, $0x4C4C00;
	vm4 =	vmand vm5, vm4  }
0x44: {  	vm4 =	vmand vm6, vm4  }
0x45: {  	v4 =	vnsel vm4, $0xFFFFFFFF, v3  }
0x46: {  	s31 =	sand.u32 $0x1, s0  }
0x47: {  	s0 =	simm.s32 $0x1F40;
	p1 =	seq.s32 s31, $0x1  }
0x48: {  	s0 =	simm.s32 @!p1 $0x0  }
0x49: {  	s26 =	sadd.s32 $0x7DF0, s0;
	(ifvalue) =	ssetifvalue $0xFFFFFFFF  }
0x4a: {  	v3 =	vperm.xlane v3, v1;
	[tilespmem:s26], [sflag:$0x8] =	stream.indirect_vreg.gather [hbm4b:s1+s16], $0x1, v4, vm0, $0x4038;
	v4 =	vnsel vm6, $0xFFFFFFFE, v4;
	[tilespmem:$0x11A60] =	vst v63  }
0x4b: {  	s2 =	simm.s32 $0x0;
	s22 =	sadd.s32 $0xFFFFFFF0, s28;
	[tilespmem:s28+$0x0] =	vst v4  }
.LBB2_3:
0x4c: {  	v4 =	vld.msk [tilespmem:s22+$0x0 ss:$0x1], $0xffff;
	s2 =	sadd.s32 $0x10, s2;
	v5 =	vmov v3;
	s28 =	smov.u32 s22  }
0x4d: {  	p1 =	slt.u32 s2, $0x1F30;
	_ =	sdelay $0x4  }
0x4e: {  	v3 =	vperm.xlane v4, v1;
	(xrf1) =	vunique.msk.u32 $0xffff, v4;
	_ =	sdelay $0xd  }
0x4f: {  	v6, _, _ =	vpop (xrf1)  }
0x50: {  	vm5 =	vne.s32 v4, v5;
	vm4 =	veq.s32 v6, v2  }
0x51: {  	vm6 =	vlt.u32 v4, $0x4C4C00;
	vm4 =	vmand vm5, vm4  }
0x52: {  	vm4 =	vmand vm6, vm4  }
0x53: {  	v4 =	vnsel vm4, $0xFFFFFFFF, v4  }
.Ltmp3:
0x54: {  	v5 =	vnsel vm6, $0xFFFFFFFE, v4;
	(pc) =	sbr.rel @p1 .LBB2_3-.Ltmp3, $3  }
0x55: {  	_ =	sdelay $0x1  }
0x56: {  	s22 =	sadd.s32 $0xFFFFFFF0, s22;
	s26 =	sadd.s32 $0xFFFFFFF0, s26;
	(ifvalue) =	ssetifvalue $0xFFFFFFFF  }
0x57: {  	[tilespmem:s26], [sflag:$0x8] =	stream.indirect_vreg.gather [hbm4b:s1+s16], $0x1, v4, vm0, $0x4038;
	[tilespmem:s28+$0x0] =	vst v5  }
0x58: {  	s2 =	sshrl.u32 s25, $0x3  }
0x59: {  	s0 =	sadd.s32 $0x9D40, s0;
	s2 =	sadd.s32 s6, s2  }
0x5a: {  	[tilespmem:s0], [sflag:$0x8] =	stream.linear.gather [hbm:s2], $0x1F40, $0x38;
	[tilespmem:$0x11A60] =	vst v63  }
.LBB2_5:
0x5b: {  	p1 =	slt.u32 s24, $0x2  }
0x5c: {  	p2 =	sge.u32 @!p1 s24, s12  }
0x5d: {  	p1 =	por p1, p2  }
.Ltmp4:
0x5e: {  	_ = 	snop;
	(pc) =	sbr.rel @p1 .LBB2_9-.Ltmp4, $1  }
0x5f: {  	_ =	sdelay $0x3  }
0x60: {  	s0 =	sadd.s32 $0xFFFFFFFE, s24  }
0x61: {  	s2 =	smulhi.u32 $0xAAAAAAAB, s0;
	_ =	sdelay $0x1  }
0x62: {  	s2 =	sshrl.u32 s2, $0x1  }
0x63: {  	s2 =	smul.u32 $0x3, s2;
	_ =	sdelay $0x1  }
0x64: {  	s0 =	ssub.s32 s0, s2  }
0x65: {  	_ =	swait.ge [sflag:s8], $0x3E80;
	s0 =	smul.u32 $0x1F40, s0  }
0x66: {  	p1 =	sne.s32 s24, s11;
	[sflag:s8] =	ssyncset.done $0x0  }
0x67: {  	[sflag:s8] =	ssyncadd.s32 $0xFFFFC180;
	s2 =	sadd.s32 @!p1 $0x203F, s0  }
0x68: {  	[spmem:s13] =	stream.linear.scatter @!p1 [tilespmem:s2], [sflag:$0x1], $0x1, $0x38;
	[tilespmem:$0x11A60] =	vst v63  }
0x69: {  	s2 =	simm.s32 @!p1 $0x1  }
0x6a: {  	_ =	swait.ge @!p1 [sflag:s2], $0x1  }
0x6b: {  	s22 =	sshll.u32 s24, $0x4;
	[sflag:s2] =	ssyncset.done @!p1 $0x0  }
0x6c: {  	s25 =	sand.u32 $0x10, s22;
	[sflag:s2] =	ssyncadd.s32 @!p1 $0xFFFFFFFF  }
0x6d: {  	s2 =	sxor.u32 $0x10, s25;
	v4 =	vld [tilespmem:s25+$0x10]  }
0x6e: {  	v5 =	vld [tilespmem:s2+$0x60]  }
0x6f: {  	v3 =	vld [tilespmem:$0x80];
	_ =	sdelay $0x2  }
0x70: {  	(v2sf) =	vpush v4, $0x0  }
0x71: {  	(v2sf) =	vpush v5, $0x0  }
0x72: {  	(v2sf) =	vpush v3, $0x0;
	_ =	sdelay $0xc  }
0x73: {  	s22 =	spop (v2sf)  }
0x74: {  	s26 =	spop (v2sf)  }
0x75: {  	s28 =	spop (v2sf)  }
0x76: {  	p2 =	seq.s32 s22, s26;
	p3 =	seq.s32 s28, s22  }
0x77: {  	p3 =	por p2, p3  }
0x78: {  	s26 =	sand.u32 $0x1, s24;
	v4 =	vpsel p3, $0xFFFFFFFF, v4  }
0x79: {  	s29 =	smul.u32 $0x1F40, s26;
	[tilespmem:s25+$0x10] =	vst.msk $0x1, v4  }
0x7a: {  	v4 =	vld [tilespmem:$0x30]  }
0x7b: {  	v5 =	vld [tilespmem:s29+$0x9D40]  }
0x7c: {  	v6 =	vld [tilespmem:s25+$0x40];
	_ =	sdelay $0x3  }
0x7d: {  	vm4 =	vmmov vm1;
	v5 =	vadd.f32 v5, v4  }
0x7e: {  	vm5 =	vmmov vm2;
	vm4 =	vmmov @p2 vm2;
	s22 =	sshll.u32 s26, $0x4;
	v4 =	vadd.f32 v6, v4  }
0x7f: {  	s26 =	sor.u32 $0x11A40, s22;
	vm5 =	vmmov @p3 vm1;
	[tilespmem:s29+$0x9D40] =	vst.msk vm4, v5  }
0x80: {  	[tilespmem:s26+$0x0] =	vst.msk vm5, v4  }
0x81: {  	v4 =	vld [tilespmem:s29+$0x7DF0];
	_ =	sdelay $0x3  }
0x82: {  	v5 =	vimm.f32 $0.0e+00  }
0x83: {  	v4 =	vshift.insert v4, v5, s21  }
0x84: {  	s22 =	sor.u32 $0x40, s2  }
0x85: {  	[tilespmem:s22+$0x0] =	vst.msk $0x1, v4  }
0x86: {  	[tilespmem:s29+$0x7DFF] =	vst.msk $0x1, v5  }
0x87: {  	v4 =	vld [tilespmem:s0+$0x2030];
	_ =	sdelay $0x1  }
0x88: {  	s22 =	smulhi.u32 $0xAAAAAAAB, s20;
	s0 =	simm.s32 $0x1  }
0x89: {  	s0 =	simm.s32 @!p0 $0x0  }
0x8a: {  	s22 =	sshrl.u32 s22, $0x1;
	s0 =	smul.u32 $0x7D00, s0  }
0x8b: {  	s22 =	smul.u32 $0xFFFE8900, s22;
	v4 =	vshift.insert v4, v1, s21  }
0x8c: {  	s0 =	sshrl.u32 s0, $0x2  }
0x8d: {  	s22 =	sshra.s32 s22, $0x2;
	s30 =	sadd.s32 $0x9D40, s0;
	[tilespmem:s2+$0x10] =	vst.msk $0x1, v4  }
0x8e: {  	s22 =	sadd.s32 s22, s19;
	v6 =	vld [tilespmem:s30+$0x0]  }
0x8f: {  	v7 =	vld [tilespmem:s22+$0x0];
	_ =	sdelay $0x3  }
0x90: {  	v5 =	vadd.f32 v6, v5  }
0x91: {  	vm4 =	vne.s32 v7, $0xFFFFFFFF  }
0x92: {  	(xrf2) =	vadd.seg.scan.f32 vm4, v5;
	_ =	sdelay $0x3  }
0x93: {  	s31 =	sadd.s32 $0x5EC0, s0;
	v5 =	vperm.xlane v4, v1  }
0x94: {  	v6 =	vld [tilespmem:s31+$0x0]  }
0x95: {  	vm5 =	veq.s32 v7, v3;
	vm6 =	veq.s32 v7, v5  }
0x96: {  	vm7 =	vgt.u32 v7, $0xFFFFFFFD;
	vm6 =	vmor vm6, vm5  }
0x97: {  	vm6 =	vmor vm6, vm7  }
0x98: {  	v9 =	vld [tilespmem:$0xA0];
	v7 =	vsel vm6, $0xFFFFFFFF, v7  }
0x99: {  	v10 =	vld [tilespmem:$0x90];
	v6 =	vsel vm5, $0x0, v6;
	v8, _, _ =	vpop (xrf2)  }
0x9a: {  	v6 =	vadd.f32 v8, v6  }
0x9b: {  	s0 =	sadd.s32 $0xDBC0, s0  }
0x9c: {  	vm4 =	vmand vm4, vm3;
	[tilespmem:s0+$0x0] =	vst v6;
	(ifvalue) =	ssetifvalue $0xFFFFFFFF  }
0x9d: {  	vm6 =	veq.s32 v9, $0x1;
	[hbm4b:s1+s16] =	stream.indirect_vreg.scatter [tilespmem:s0], [sflag:$0x2], $0x1, v7, vm0, $0x4038;
	v7 =	vsel vm4, $0x0, v8;
	[tilespmem:$0x11A60] =	vst v63  }
0x9e: {  	s2 =	simm.s32 $0x0;
	s22 =	sadd.s32 $0x10, s22;
	vm4 =	vmor vm6, vm5;
	v6 =	vsel vm5, v8, v10;
	v7 =	vshift.insert v7, v0, s21  }
.LBB2_7:
0x9f: {  	v8 =	vld [tilespmem:s22+$0x0];
	s30 =	sadd.s32 $0x10, s30  }
0xa0: {  	s31 =	sadd.s32 $0x10, s31;
	v9 =	vld [tilespmem:s30+$0x0]  }
0xa1: {  	s2 =	sadd.s32 $0x10, s2;
	v10 =	vld [tilespmem:s31+$0x0]  }
0xa2: {  	p2 =	slt.u32 s2, $0x1F30;
	_ =	sdelay $0x2  }
0xa3: {  	v7 =	vadd.f32 v9, v7  }
0xa4: {  	vm5 =	vne.s32 v8, $0xFFFFFFFF  }
0xa5: {  	vm6 =	vmand vm5, vm3;
	(xrf2) =	vadd.seg.scan.f32 vm5, v7;
	_ =	sdelay $0x5  }
0xa6: {  	vm7 =	veq.s32 v8, v5;
	vm5 =	veq.s32 v8, v3  }
0xa7: {  	vm8 =	vgt.u32 v8, $0xFFFFFFFD;
	vm4 =	vmor vm4, vm5;
	vm7 =	vmor vm7, vm5  }
0xa8: {  	vm7 =	vmor vm7, vm8  }
0xa9: {  	v8 =	vsel vm7, $0xFFFFFFFF, v8  }
.Ltmp5:
0xaa: {  	v7 =	vsel vm5, $0x0, v10;
	v9, _, _ =	vpop (xrf2);
	(pc) =	sbr.rel @p2 .LBB2_7-.Ltmp5, $4  }
0xab: {  	v6 =	vsel vm5, v9, v6;
	v10 =	vadd.f32 v9, v7;
	v7 =	vsel vm6, $0x0, v9  }
0xac: {  	s0 =	sadd.s32 $0x10, s0;
	v7 =	vshift.insert v7, v0, s21  }
0xad: {  	s22 =	sadd.s32 $0x10, s22;
	[tilespmem:s0+$0x0] =	vst v10;
	(ifvalue) =	ssetifvalue $0xFFFFFFFF  }
0xae: {  	[hbm4b:s1+s16] =	stream.indirect_vreg.scatter [tilespmem:s0], [sflag:$0x2], $0x1, v8, vm0, $0x4038;
	[tilespmem:$0x11A60] =	vst v63  }
0xaf: {  	v3 =	vld [tilespmem:s29+$0xFAF0];
	_ =	sdelay $0x4  }
0xb0: {  	v3 =	vshift.insert v3, v0, s21  }
0xb1: {  	s0 =	simm.s32 $0x30  }
0xb2: {  	[tilespmem:s0+$0x0] =	vst.msk $0x1, v3  }
0xb3: {  	v3 =	vsel vm4, $0x1, v1;
	[tilespmem:$0x90] =	vst v6  }
0xb4: {  	s0 =	sadd.s32 @!p1 $0xFAFF, s29;
	[tilespmem:$0xA0] =	vst v3  }
0xb5: {  	[spmem:s14] =	stream.linear.scatter @!p1 [tilespmem:s0], [sflag:$0x1], $0x1, $0x38;
	[tilespmem:$0x11A60] =	vst v63  }
0xb6: {  	s0 =	simm.s32 @!p1 $0x1  }
0xb7: {  	v3 =	vmctz.xlane @!p1 vm4;
	_ =	swait.ge @!p1 [sflag:s0], $0x1  }
0xb8: {  	(v2sf) =	vpush @!p1 v4, $0x0  }
0xb9: {  	(v2sf) =	vpush @!p1 v3, $0x0;
	_ =	sdelay $0xd  }
0xba: {  	s2 =	spop @!p1 (v2sf)  }
0xbb: {  	s22 =	spop @!p1 (v2sf)  }
0xbc: {  	p2 =	sne.s32 @!p1 s28, s2;
	p3 =	slt.s32 @!p1 s22, $0xF  }
0xbd: {  	[sflag:s0] =	ssyncset.done @!p1 $0x0;
	p2 =	por p2, p1;
	p3 =	por !p3, p1  }
0xbe: {  	[sflag:s0] =	ssyncadd.s32 @!p1 $0xFFFFFFFF;
	v3 =	vimm.s32 @!p2 $0xFFFFFFFF;
	s22 =	simm.s32 @p3 $0xF  }
0xbf: {  	[tilespmem:$0x80] =	vst @!p2 v3;
	s2 =	sadd.s32 @!p1 $0x90, s22  }
0xc0: {  	[spmem:s10] =	stream.linear.scatter @!p1 [tilespmem:s2], [sflag:$0x1], $0x1, $0x38;
	[tilespmem:$0x11A60] =	vst v63  }
0xc1: {  	_ =	swait.ge @!p1 [sflag:s0], $0x1  }
0xc2: {  	[sflag:s0] =	ssyncset.done @!p1 $0x0  }
0xc3: {  	s2 =	simm.s32 @!p1 $0x80;
	[sflag:s0] =	ssyncadd.s32 @!p1 $0xFFFFFFFF  }
0xc4: {  	[spmem:s15] =	stream.linear.scatter @!p1 [tilespmem:s2], [sflag:$0x1], $0x1, $0x38;
	[tilespmem:$0x11A60] =	vst v63  }
0xc5: {  	_ =	swait.ge @!p1 [sflag:s0], $0x1  }
0xc6: {  	[sflag:s0] =	ssyncset.done @!p1 $0x0  }
0xc7: {  	[sflag:s0] =	ssyncadd.s32 @!p1 $0xFFFFFFFF;
	(ifvalue) =	ssetifvalue $0xFFFFFFFF;
	v3 =	vld [tilespmem:s25+$0x10];
	_ =	sdelay $0x3  }
.Ltmp6:
0xc8: {  	_ = 	snop;
	(pc) =	sbr.rel .LBB2_9-.Ltmp6, $3  }
0xc9: {  	_ =	sdelay $0x1  }
0xca: {  	(ifvalue) =	ssetifvalue $0xFFFFFFFF  }
0xcb: {  	[hbm4b:s1+s16] =	stream.indirect_vreg.scatter [tilespmem:s26], [sflag:$0x9], $0x1, v3, vm0, $0x4038;
	[tilespmem:$0x11A60] =	vst v63  }
.LBB2_10:
0xcc: {  	_ =	sfence.sel $0x180000  }
0xcd: {  	s0 =	simm.s32 $0x7;
	[bflag:$0x0] =	sbarrier.arrive $0xFFFF  }
0xce: {  	s26 =	simm.s32 $0x8;
	[sflag:s0] =	ssyncpa.u1 $0x1  }
0xcf: {  	s28 =	simm.s32 $0x9;
	[sflag:s26] =	ssyncpa.u1 $0x1  }
0xd0: {  	[sflag:s28] =	ssyncpa.u1 $0x1  }
0xd1: {  	_ =	sfence.stream.spmem  }
0xd2: {  	s29 =	simm.s32 $0x3;
	[bflag:$0x0] =	sbarrier.arrive $0xFFFF  }
0xd3: {  	s30 =	simm.s32 $0x4;
	[sflag:s29] =	ssyncpa.u1 $0x1  }
0xd4: {  	s31 =	simm.s32 $0x3C;
	s2 =	stileid.u32;
	[sflag:s30] =	ssyncpa.u1 $0x1  }
0xd5: {  	p0 =	sne.s32 s2, $0x0;
	[sflag:s31] =	ssyncpa.u1 $0x1  }
0xd6: {  	s0 =	simm.s32 @p0 $0x1;
	_ =	sfence @p0  }
0xd7: {  	[sflag:s0] =	ssyncpa.u1 @p0 $0x1;
	s0 =	simm.s32 @p0 $0x2  }
0xd8: {  	[sflag:s0] =	ssyncpa.u1 @p0 $0x1  }
0xd9: {  	_ =	strace @p0 $0x90000047  }
0xda: {  	[bflag:$0x2] =	sbarrier.arrive @p0 $0xFFFF  }
0xdb: {  	_ =	shalt @p0  }
.LBB2_11:
0xdc: {  	_ =	sfence.stream.spmem;
	s0 =	simm.s32 $0x5  }
0xdd: {  	s2 =	simm.s32 $0x80;
	s3 =	simm.s32 $0xC0;
	[sflag:s0] =	ssyncpa.u1 $0x0  }
0xde: {  	[tilespmem:s3], [sflag:$0x5] =	stream.linear.gather [spmem:s2], $0x20, $0x38;
	[tilespmem:$0x11A60] =	vst v63  }
0xdf: {  	s2 =	simm.s32 $0x0;
	s3 =	simm.s32 $0xE0  }
0xe0: {  	[tilespmem:s3], [sflag:$0x5] =	stream.linear.gather [spmem:s2], $0x20, $0x38;
	[tilespmem:$0x11A60] =	vst v63  }
.Ltmp7:
0xe1: {  	_ = 	snop;
	(pc) =	sbr.rel .LBB2_12-.Ltmp7, $4  }
0xe2: {  	_ =	swait.ge [sflag:s0], $0x40  }
0xe3: {  	[sflag:s0] =	ssyncset.done $0x0  }
0xe4: {  	s31 =	simm.s32 $0x6;
	[sflag:s0] =	ssyncadd.s32 $0xFFFFFFC0  }
0xe5: {  	s4 =	simm.s32 $0x0;
	[sflag:s31] =	ssyncpa.u1 $0x0  }
.LBB2_17:
0xe6: {  	p0 =	sgt.u32 s5, $0x4C4BFF  }
0xe7: {  	s0 =	sshrl.u32 @!p0 s5, $0x3  }
0xe8: {  	s5 =	sand.u32 @!p0 $0x7, s5;
	s6 =	simm.s32 @!p0 $0xB0;
	s0 =	sadd.s32 @!p0 s1, s0  }
0xe9: {  	[tilespmem:s6], [sflag:$0x6] =	stream.linear.gather @!p0 [hbm4b:s0+s5], $0x1, $0x38;
	[tilespmem:$0x11A60] =	vst v63  }
0xea: {  	s0 =	simm.s32 @!p0 $0x6  }
0xeb: {  	_ =	swait.ge @!p0 [sflag:s0], $0x1  }
0xec: {  	[sflag:s0] =	ssyncset.done @!p0 $0x0  }
0xed: {  	[sflag:s0] =	ssyncadd.s32 @!p0 $0xFFFFFFFF  }
0xee: {  	v2 =	vmov @!p0 s4;
	v1 =	vld.msk @!p0 [tilespmem:$0xB0], $0x1;
	_ =	sdelay $0x3  }
0xef: {  	s0 =	simm.s32 @!p0 $0xE0  }
0xf0: {  	[tilespmem:v2+s0+$0x0], v1 =	vst.idx.ret.add.f32.msk @!p0 $0x1, v1  }
0xf1: {  	[tilespmem:s2+$0xC0] =	vst.msk $0x1, v0  }
0xf2: {  	v0 =	vld.msk [tilespmem:s4+$0xE0], $0x1;
	_ =	sdelay $0x4  }
0xf3: {  	[tilespmem:s2+$0xE0] =	vst.msk $0x1, v0;
	s2 =	sadd.s32 $0x1, s2  }
.LBB2_19:
0xf4: {  	s4 =	sadd.s32 $0x1, s4  }
0xf5: {  	p0 =	sne.s32 s4, $0x20  }
.Ltmp8:
0xf6: {  	_ = 	snop;
	(pc) =	sbr.rel @!p0 .LBB2_20-.Ltmp8, $1  }
0xf7: {  	_ =	sdelay $0x3  }
.LBB2_12:
0xf8: {  	v0 =	vld.msk [tilespmem:s4+$0xC0], $0x1;
	_ =	sdelay $0x4  }
0xf9: {  	(v2sf) =	vpush v0, $0x0;
	_ =	sdelay $0xe  }
0xfa: {  	s5 =	spop (v2sf)  }
0xfb: {  	p0 =	seq.s32 s5, $0xFFFFFFFF  }
.Ltmp9:
0xfc: {  	_ = 	snop;
	(pc) =	sbr.rel @p0 .LBB2_19-.Ltmp9, $1  }
0xfd: {  	_ =	sdelay $0x3  }
0xfe: {  	p0 =	slt.s32 s2, $0x1  }
.Ltmp10:
0xff: {  	_ = 	snop;
	(pc) =	sbr.rel @p0 .LBB2_17-.Ltmp10, $1  }
0x100: {  	_ =	sdelay $0x3  }
0x101: {  	s0 =	simm.s32 $0xC0;
	p0 =	por $0x0, $0x0  }
0x102: {  	v1 =	vld.msk @!p0 [tilespmem:s0+$0x0], $0x1;
	_ =	sdelay $0x4  }
0x103: {  	(v2sf) =	vpush @!p0 v1, $0x0;
	_ =	sdelay $0xd  }
0x104: {  	p2 =	sne.s32 s2, $0x1  }
.Ltmp11:
0x105: {  	s6 =	spop @!p0 (v2sf);
	(pc) =	sbr.rel @!p2 .LBB2_16-.Ltmp11, $4  }
0x106: {  	p1 =	seq.s32 @!p0 s5, s6  }
0x107: {  	s6 =	simm.s32 $0x0;
	p1 =	por !p1, p0  }
0x108: {  	s8 =	simm.s32 $0xFFFFFFFF;
	s6 =	simm.s32 @p1 $0xFFFFFFFF  }
0x109: {  	s7 =	simm.s32 $0x1;
	s6 =	smov.u32 @p0 s8  }
.LBB2_15:
0x10a: {  	s8 =	smov.u32 s6;
	p0 =	sne.s32 s6, $0xFFFFFFFF  }
0x10b: {  	s0 =	sadd.s32 $0x1, s0;
	s6 =	smov.u32 s7;
	s7 =	sadd.s32 $0x1, s7  }
0x10c: {  	p1 =	sne.s32 s2, s7;
	v1 =	vld.msk @!p0 [tilespmem:s0+$0x0], $0x1;
	_ =	sdelay $0x4  }
0x10d: {  	(v2sf) =	vpush @!p0 v1, $0x0;
	_ =	sdelay $0xe  }
.Ltmp12:
0x10e: {  	s9 =	spop @!p0 (v2sf);
	(pc) =	sbr.rel @p1 .LBB2_15-.Ltmp12, $4  }
0x10f: {  	p2 =	seq.s32 @!p0 s5, s9  }
0x110: {  	p2 =	por !p2, p0  }
0x111: {  	s6 =	simm.s32 @p2 $0xFFFFFFFF  }
0x112: {  	s6 =	smov.u32 @p0 s8  }
.LBB2_16:
0x113: {  	p0 =	sne.s32 s6, $0xFFFFFFFF  }
.Ltmp13:
0x114: {  	_ = 	snop;
	(pc) =	sbr.rel @!p0 .LBB2_17-.Ltmp13, $1  }
0x115: {  	_ =	sdelay $0x3  }
0x116: {  	v0 =	vld.msk [tilespmem:s4+$0xE0], $0x1;
	v1 =	vmov s6  }
.Ltmp14:
0x117: {  	_ = 	snop;
	(pc) =	sbr.rel .LBB2_19-.Ltmp14, $2  }
0x118: {  	_ =	sdelay $0x2  }
0x119: {  	[tilespmem:v1+s3+$0x0], v0 =	vst.idx.ret.add.f32.msk $0x1, v0  }
.LBB2_20:
0x11a: {  	p0 =	slt.s32 s2, $0x1  }
.Ltmp15:
0x11b: {  	_ = 	snop;
	(pc) =	sbr.rel @p0 .LBB2_24-.Ltmp15, $3  }
0x11c: {  	_ =	sdelay $0x1  }
0x11d: {  	s0 =	simm.s32 $0x6  }
0x11e: {  	s3 =	simm.s32 $0x0;
	[sflag:s0] =	ssyncpa.u1 $0x1  }
0x11f: {  	s0 =	simm.s32 $0xC0  }
0x120: {  	v0 =	vld.msk [tilespmem:s0+$0x0], $0x1;
	_ =	sdelay $0x4  }
0x121: {  	(v2sf) =	vpush v0, $0x0;
	_ =	sdelay $0xe  }
0x122: {  	s2 =	sadd.s32 $0xFFFFFFFF, s2;
	s4 =	spop (v2sf)  }
0x123: {  	p1 =	sne.s32 s2, $0x0;
	p0 =	sgt.u32 s4, $0x4C4BFF  }
.Ltmp16:
0x124: {  	s5 =	sshrl.u32 @!p0 s4, $0x3;
	(pc) =	sbr.rel @!p1 .LBB2_23-.Ltmp16, $4  }
0x125: {  	s0 =	simm.s32 $0xE0;
	s4 =	sand.u32 @!p0 $0x7, s4;
	s5 =	sadd.s32 @!p0 s1, s5  }
0x126: {  	[hbm4b:s5+s4] =	stream.linear.scatter @!p0 [tilespmem:s0], [sflag:$0x5], $0x1, $0x38;
	[tilespmem:$0x11A60] =	vst v63  }
0x127: {  	s5 =	simm.s32 $0x0  }
0x128: {  	s4 =	simm.s32 $0xC1;
	s5 =	simm.s32 @!p0 $0x4  }
.LBB2_22:
0x129: {  	v0 =	vld.msk [tilespmem:s4+$0x0], $0x1;
	s2 =	sadd.s32 $0xFFFFFFFF, s2;
	s3 =	sadd.s32 s3, s5  }
0x12a: {  	p0 =	sne.s32 s2, $0x0;
	_ =	sdelay $0x3  }
0x12b: {  	(v2sf) =	vpush v0, $0x0;
	_ =	sdelay $0xe  }
.Ltmp17:
0x12c: {  	s6 =	spop (v2sf);
	(pc) =	sbr.rel @p0 .LBB2_22-.Ltmp17, $4  }
0x12d: {  	s5 =	simm.s32 $0x0;
	p1 =	sgt.u32 s6, $0x4C4BFF  }
0x12e: {  	s0 =	sadd.s32 $0x1, s0;
	s5 =	simm.s32 @!p1 $0x4;
	s7 =	sshrl.u32 @!p1 s6, $0x3  }
0x12f: {  	s4 =	sadd.s32 $0x1, s4;
	s6 =	sand.u32 @!p1 $0x7, s6;
	s7 =	sadd.s32 @!p1 s1, s7  }
0x130: {  	[hbm4b:s7+s6] =	stream.linear.scatter @!p1 [tilespmem:s0], [sflag:$0x5], $0x1, $0x38;
	[tilespmem:$0x11A60] =	vst v63  }
.LBB2_23:
0x131: {  	s0 =	sadd.s32 s3, s5  }
0x132: {  	s3 =	sshrl.u32 s0, $0x2  }
.LBB2_24:
0x133: {  	s0 =	simm.s32 $0x5  }
0x134: {  	_ =	swait.ge [sflag:s0], s3  }
0x135: {  	s1 =	ssub.s32 $0x0, s3;
	[sflag:s0] =	ssyncset.done $0x0  }
0x136: {  	[sflag:s0] =	ssyncadd.s32 s1  }
0x137: {  	[sflag:s0] =	ssyncpa.u1 $0x1  }
0x138: {  	s29 =	simm.s32 $0x1;
	_ =	sfence  }
0x139: {  	s30 =	simm.s32 $0x2;
	[sflag:s29] =	ssyncpa.u1 $0x1  }
0x13a: {  	[sflag:s30] =	ssyncpa.u1 $0x1  }
0x13b: {  	_ =	strace $0x90000047  }
0x13c: {  	[bflag:$0x2] =	sbarrier.arrive $0xFFFF  }
0x13d: {  	s31 =	rddreg [dreg:$0x1]  }
0x13e: {  	s0 =	sadd.s32 $0x100000, s31  }
0x13f: {  	[sflag:s0] =	ssyncadd.tile.s32 $0x1;
	_ =	shalt  }
.Lfunc_end2:
_tile_overlayer_lowered:
.L_overlay_start_2:
0x140: {  	(tag) =	ssettag $0x2  }
0x141: {  	s0 =	rddreg [dreg:$0x0];
	s2 =	stileid.u32  }
0x142: {  	s1 =	rddreg [dreg:$0x1];
	p0 =	sne.s32 s2, $0x0  }
0x143: {  	s3 =	rddreg [dreg:$0x2];
	[bflag:$0x3] =	sbarrier.arrive $0xFFFF;
	s2 =	simm.s32 @!p0 $0x1C01  }
0x144: {  	[timem:s3], [sflag:s2] =	dma.local @!p0 [hbm:s0], s1  }
0x145: {  	s0 =	simm.s32 @!p0 $0x1  }
0x146: {  	_ =	swait.ge @!p0 [sflag:s0], s1  }
0x147: {  	s1 =	ssub.s32 @!p0 $0x0, s1;
	[sflag:s0] =	ssyncset.done @!p0 $0x0  }
0x148: {  	[sflag:s0] =	ssyncadd.s32 @!p0 s1  }
0x149: {  	[bflag:$0x3] =	sbarrier.arrive $0xFFFF  }
0x14a: {  	_ =	shalt  }

</sc_bundles>
